<compile_context>
chip_gen: v7x
topology: tpu7x:2x2x1
jax: 0.10.2.dev20260603
libtpu: 0.0.44.dev20260713+nightly
codegen_flags: <defaults>
</compile_context>

<pallas_src>
import functools

import jax
import jax.numpy as jnp
from jax import lax
from jax.experimental import pallas as pl
from jax.experimental.pallas import tpu as pltpu
from jax.experimental.pallas import tpu_sc as plsc

B = 256
N = 200
H = 256
W = 256
N_CHANNELS = 2

NFULL = N // 16
NTAIL = N - NFULL * 16
NW = 32
BPW = B // NW
IMG = H * W


def _sc_scatter(vals, keys):
    mesh = plsc.VectorSubcoreMesh(core_axis_name="c", subcore_axis_name="s")

    @functools.partial(
        pl.kernel,
        out_type=jax.ShapeDtypeStruct((B * N_CHANNELS, H, W), jnp.float32),
        mesh=mesh,
        compiler_params=pltpu.CompilerParams(needs_layout_passes=False),
        scratch_types=[
            pltpu.VMEM((H, W), jnp.float32),
            pltpu.VMEM((BPW * N,), jnp.float32),
            pltpu.VMEM((BPW * N,), jnp.int32),
            pltpu.SemaphoreType.DMA,
        ],
    )
    def k(vals_hbm, keys_hbm, out_hbm, img, vv, iv, sem):
        wid = lax.axis_index("s") * 2 + lax.axis_index("c")
        base = wid * BPW

        pltpu.sync_copy(vals_hbm.at[pl.ds(base * N, BPW * N)], vv)
        pltpu.sync_copy(keys_hbm.at[pl.ds(base * N, BPW * N)], iv)

        zero16 = jnp.zeros((16,), jnp.float32)

        def zbody(r, _):
            for u in range(W // 16):
                img[r, pl.ds(u * 16, 16)] = zero16
            return _

        lax.fori_loop(0, H, zbody, None)

        lanes = lax.iota(jnp.int32, 16)
        tail_mask = lanes < NTAIL

        def batch_body(b, _):
            for c in range(NFULL + 1):
                off = b * N + c * 16
                nlanes = 16 if c < NFULL else NTAIL
                if c == NFULL:
                    off = b * N + N - 16
                ivec = lax.bitwise_and(iv[pl.ds(off, 16)], IMG * N_CHANNELS - 1)
                vvec = vv[pl.ds(off, 16)]
                iy = lax.shift_right_logical(ivec, 8)
                ix = lax.bitwise_and(ivec, 255)
                for j in range(16 - nlanes, 16):
                    plsc.store_scatter(img, [iy, ix], vvec, mask=lanes == j)

            bc = (base + b) * N_CHANNELS
            d0 = pltpu.async_copy(img, out_hbm.at[bc], sem)
            d1 = pltpu.async_copy(img, out_hbm.at[bc + 1], sem)
            d0.wait()
            d1.wait()

            for c in range(NFULL + 1):
                off = b * N + (c * 16 if c < NFULL else N - 16)
                ivec = lax.bitwise_and(iv[pl.ds(off, 16)], IMG * N_CHANNELS - 1)
                iy = lax.shift_right_logical(ivec, 8)
                ix = lax.bitwise_and(ivec, 255)
                plsc.store_scatter(img, [iy, ix], zero16)
            return _

        lax.fori_loop(0, BPW, batch_body, None)

    return k(vals, keys)


@jax.jit
def kernel(x):
    powers = x[:, :, 0]
    cx = jnp.round(x[:, :, 1]).astype(jnp.int32)
    cy = jnp.round(x[:, :, 2]).astype(jnp.int32)
    idx = cy * W + cx

    keys = (jnp.arange(B, dtype=jnp.int32)[:, None] * (N_CHANNELS * IMG)
            + idx).reshape(-1)
    sk, sv = lax.sort((keys, powers.reshape(-1)), dimension=0, num_keys=1,
                      is_stable=False)

    out = _sc_scatter(sv, sk)
    return out.reshape(B, N_CHANNELS, H, W)

# --- scband reference (transcript-rebuilt; emitter-appended) ---
"""Pipeline reference for scband-vec2-im-4982162063687 (READ-ONLY COPY).

The authoritative reference and input builder live on the scoring server;
editing this copy changes nothing except your own understanding.
"""

import jax, jax.numpy as jnp
import numpy as np

B, N, H, W = 256, 200, 256, 256
N_CHANNELS = 2


def setup_inputs(seed: int = 0) -> dict:
    key = jax.random.key(seed)
    k1, k2, k3 = jax.random.split(key, 3)
    # feature layout per sensor: [power, x_coord, y_coord, device_id, category_id]
    powers = jax.random.normal(k1, (B, N, 1), dtype=jnp.float32)
    coords = jax.random.randint(k2, (B, N, 2), 0, min(H, W)).astype(jnp.float32)
    ids = jax.random.randint(k3, (B, N, 2), 0, 4).astype(jnp.float32)
    x = jnp.concatenate([powers, coords, ids], axis=-1)
    return {"x": x}


def reference(x) -> jnp.ndarray:
    # Vec2Im.forward with sensor_dropout / device_multiplication /
    # category_multiplication / rss-noise / power-scaling / elevation-map all
    # disabled (matching the provided config): a pure scatter of per-sensor
    # power readings into a dense 2-channel image.
    batch_size = x.shape[0]
    num_sensors = x.shape[1]
    all_powers = x[:, :, 0]
    coords = jnp.round(x[:, :, 1:3]).astype(jnp.int32)
    batch_idx = jnp.repeat(jnp.arange(batch_size), num_sensors)
    cy = coords[:, :, 1].reshape(-1)
    cx = coords[:, :, 0].reshape(-1)
    x_img = jnp.zeros((batch_size, N_CHANNELS, H, W), dtype=x.dtype)
    # channel 0: (transformed) powers; channel 1: raw powers. With the spline
    # multiplications disabled both channels receive the same values, exactly
    # as in the torch module.
    x_img = x_img.at[batch_idx, 0, cy, cx].set(all_powers.reshape(-1))
    x_img = x_img.at[batch_idx, 1, cy, cx].set(x[:, :, 0].reshape(-1))
    return x_img

if __name__ == "__main__":
    import jax
    _d = setup_inputs()
    print(jax.jit(kernel)(*tuple(_d.values())))

</pallas_src>

<mosaic_0001>
#map = affine_map<(d0, d1) -> (0)>
#map1 = affine_map<(d0, d1) -> (0, 0, 0)>
module attributes {stable_mosaic.version = 14 : i64} {
  func.func @k(%arg0: i32, %arg1: i32, %arg2: memref<51200xf32, #tpu.memory_space<hbm>>, %arg3: memref<51200xi32, #tpu.memory_space<hbm>>, %arg4: memref<512x256x256xf32, #tpu.memory_space<hbm>>, %arg5: memref<256x256xf32, #tpu.memory_space<vmem>>, %arg6: memref<1600xf32, #tpu.memory_space<vmem>>, %arg7: memref<1600xi32, #tpu.memory_space<vmem>>, %arg8: memref<!tpu.dma_semaphore, #tpu.memory_space<semaphore_mem>>) attributes {dimension_semantics = [#tpu.dimension_semantics<core_parallel>, #tpu.dimension_semantics<subcore_parallel>], iteration_bounds = array<i64: 2, 16>, scalar_prefetch = 0 : i64, scratch_operands = 4 : i64, tpu.core_type = #tpu.core_type<sc_vector_subcore>, window_params = [{transform_indices = #map}, {transform_indices = #map}, {transform_indices = #map1}]} {
    %mul3A = arith.constant 2 : i32
    %mul3A_0 = arith.muli %arg1, %mul3A : i32
    %add3A = arith.addi %mul3A_0, %arg0 : i32
    %mul3A_1 = arith.constant 8 : i32
    %mul3A_2 = arith.muli %add3A, %mul3A_1 : i32
    %mul3A_3 = arith.constant 200 : i32
    %mul3A_4 = arith.muli %mul3A_2, %mul3A_3 : i32
    "tpu.region"() ({
      %run_scoped3A = tpu.sem_alloc : memref<!tpu.dma_semaphore, #tpu.memory_space<semaphore_mem>>
      %dma_start3A = tpu.memref_slice %arg2[%mul3A_4] : memref<51200xf32, #tpu.memory_space<hbm>> -> memref<1600xf32, #tpu.memory_space<hbm>>
      %dma_start3A_19 = tpu.memref_slice %arg2[%mul3A_4] : memref<51200xf32, #tpu.memory_space<hbm>> -> memref<1600xf32, #tpu.memory_space<hbm>>
      tpu.enqueue_dma source(%dma_start3A_19 : memref<1600xf32, #tpu.memory_space<hbm>>) target(%arg6 : memref<1600xf32, #tpu.memory_space<vmem>>) target_semaphore(%run_scoped3A : memref<!tpu.dma_semaphore, #tpu.memory_space<semaphore_mem>>)
      %dma_wait3A = tpu.memref_slice %arg2[%mul3A_4] : memref<51200xf32, #tpu.memory_space<hbm>> -> memref<1600xf32, #tpu.memory_space<hbm>>
      %dma_wait3A_20 = tpu.memref_slice %arg2[%mul3A_4] : memref<51200xf32, #tpu.memory_space<hbm>> -> memref<1600xf32, #tpu.memory_space<hbm>>
      tpu.wait_dma2 semaphore(%run_scoped3A : memref<!tpu.dma_semaphore, #tpu.memory_space<semaphore_mem>>) src(%dma_wait3A_20 : memref<1600xf32, #tpu.memory_space<hbm>>) dst(%arg6 : memref<1600xf32, #tpu.memory_space<vmem>>)
      tpu.yield
    }) : () -> ()
    %mul3A_5 = arith.constant 200 : i32
    %mul3A_6 = arith.muli %mul3A_2, %mul3A_5 : i32
    "tpu.region"() ({
      %run_scoped3A = tpu.sem_alloc : memref<!tpu.dma_semaphore, #tpu.memory_space<semaphore_mem>>
      %dma_start3A = tpu.memref_slice %arg3[%mul3A_6] : memref<51200xi32, #tpu.memory_space<hbm>> -> memref<1600xi32, #tpu.memory_space<hbm>>
      %dma_start3A_19 = tpu.memref_slice %arg3[%mul3A_6] : memref<51200xi32, #tpu.memory_space<hbm>> -> memref<1600xi32, #tpu.memory_space<hbm>>
      tpu.enqueue_dma source(%dma_start3A_19 : memref<1600xi32, #tpu.memory_space<hbm>>) target(%arg7 : memref<1600xi32, #tpu.memory_space<vmem>>) target_semaphore(%run_scoped3A : memref<!tpu.dma_semaphore, #tpu.memory_space<semaphore_mem>>)
      %dma_wait3A = tpu.memref_slice %arg3[%mul3A_6] : memref<51200xi32, #tpu.memory_space<hbm>> -> memref<1600xi32, #tpu.memory_space<hbm>>
      %dma_wait3A_20 = tpu.memref_slice %arg3[%mul3A_6] : memref<51200xi32, #tpu.memory_space<hbm>> -> memref<1600xi32, #tpu.memory_space<hbm>>
      tpu.wait_dma2 semaphore(%run_scoped3A : memref<!tpu.dma_semaphore, #tpu.memory_space<semaphore_mem>>) src(%dma_wait3A_20 : memref<1600xi32, #tpu.memory_space<hbm>>) dst(%arg7 : memref<1600xi32, #tpu.memory_space<vmem>>)
      tpu.yield
    }) : () -> ()
    %broadcast_in_dim3A = arith.constant 0.000000e+00 : f32
    %broadcast_in_dim3A_7 = vector.broadcast %broadcast_in_dim3A : f32 to vector<16xf32>
    %scan3A = arith.constant 0 : i32
    %scan3A_8 = arith.constant 256 : i32
    %scan3A_9 = arith.addi %scan3A, %scan3A_8 : i32
    %scan3A_10 = arith.constant 1 : i32
    scf.for %scan3A_19 = %scan3A to %scan3A_9 step %scan3A_10  : i32 {
      %swap3A = arith.index_cast %scan3A_19 : i32 to index
      %swap3A_20 = arith.constant 0 : index
      %swap3A_21 = tpu.vector_load %arg5[%swap3A, %swap3A_20] {strides = array<i32>} : memref<256x256xf32, #tpu.memory_space<vmem>>, vector<16xf32>,
      tpu.vector_store %arg5[%swap3A, %swap3A_20], %broadcast_in_dim3A_7 {strides = array<i32>} : memref<256x256xf32, #tpu.memory_space<vmem>>, vector<16xf32>,
      %swap3A_22 = arith.index_cast %scan3A_19 : i32 to index
      %swap3A_23 = arith.constant 16 : index
      %swap3A_24 = tpu.vector_load %arg5[%swap3A_22, %swap3A_23] {strides = array<i32>} : memref<256x256xf32, #tpu.memory_space<vmem>>, vector<16xf32>,
      tpu.vector_store %arg5[%swap3A_22, %swap3A_23], %broadcast_in_dim3A_7 {strides = array<i32>} : memref<256x256xf32, #tpu.memory_space<vmem>>, vector<16xf32>,
      %swap3A_25 = arith.index_cast %scan3A_19 : i32 to index
      %swap3A_26 = arith.constant 32 : index
      %swap3A_27 = tpu.vector_load %arg5[%swap3A_25, %swap3A_26] {strides = array<i32>} : memref<256x256xf32, #tpu.memory_space<vmem>>, vector<16xf32>,
      tpu.vector_store %arg5[%swap3A_25, %swap3A_26], %broadcast_in_dim3A_7 {strides = array<i32>} : memref<256x256xf32, #tpu.memory_space<vmem>>, vector<16xf32>,
      %swap3A_28 = arith.index_cast %scan3A_19 : i32 to index
      %swap3A_29 = arith.constant 48 : index
      %swap3A_30 = tpu.vector_load %arg5[%swap3A_28, %swap3A_29] {strides = array<i32>} : memref<256x256xf32, #tpu.memory_space<vmem>>, vector<16xf32>,
      tpu.vector_store %arg5[%swap3A_28, %swap3A_29], %broadcast_in_dim3A_7 {strides = array<i32>} : memref<256x256xf32, #tpu.memory_space<vmem>>, vector<16xf32>,
      %swap3A_31 = arith.index_cast %scan3A_19 : i32 to index
      %swap3A_32 = arith.constant 64 : index
      %swap3A_33 = tpu.vector_load %arg5[%swap3A_31, %swap3A_32] {strides = array<i32>} : memref<256x256xf32, #tpu.memory_space<vmem>>, vector<16xf32>,
      tpu.vector_store %arg5[%swap3A_31, %swap3A_32], %broadcast_in_dim3A_7 {strides = array<i32>} : memref<256x256xf32, #tpu.memory_space<vmem>>, vector<16xf32>,
      %swap3A_34 = arith.index_cast %scan3A_19 : i32 to index
      %swap3A_35 = arith.constant 80 : index
      %swap3A_36 = tpu.vector_load %arg5[%swap3A_34, %swap3A_35] {strides = array<i32>} : memref<256x256xf32, #tpu.memory_space<vmem>>, vector<16xf32>,
      tpu.vector_store %arg5[%swap3A_34, %swap3A_35], %broadcast_in_dim3A_7 {strides = array<i32>} : memref<256x256xf32, #tpu.memory_space<vmem>>, vector<16xf32>,
      %swap3A_37 = arith.index_cast %scan3A_19 : i32 to index
      %swap3A_38 = arith.constant 96 : index
      %swap3A_39 = tpu.vector_load %arg5[%swap3A_37, %swap3A_38] {strides = array<i32>} : memref<256x256xf32, #tpu.memory_space<vmem>>, vector<16xf32>,
      tpu.vector_store %arg5[%swap3A_37, %swap3A_38], %broadcast_in_dim3A_7 {strides = array<i32>} : memref<256x256xf32, #tpu.memory_space<vmem>>, vector<16xf32>,
      %swap3A_40 = arith.index_cast %scan3A_19 : i32 to index
      %swap3A_41 = arith.constant 112 : index
      %swap3A_42 = tpu.vector_load %arg5[%swap3A_40, %swap3A_41] {strides = array<i32>} : memref<256x256xf32, #tpu.memory_space<vmem>>, vector<16xf32>,
      tpu.vector_store %arg5[%swap3A_40, %swap3A_41], %broadcast_in_dim3A_7 {strides = array<i32>} : memref<256x256xf32, #tpu.memory_space<vmem>>, vector<16xf32>,
      %swap3A_43 = arith.index_cast %scan3A_19 : i32 to index
      %swap3A_44 = arith.constant 128 : index
      %swap3A_45 = tpu.vector_load %arg5[%swap3A_43, %swap3A_44] {strides = array<i32>} : memref<256x256xf32, #tpu.memory_space<vmem>>, vector<16xf32>,
      tpu.vector_store %arg5[%swap3A_43, %swap3A_44], %broadcast_in_dim3A_7 {strides = array<i32>} : memref<256x256xf32, #tpu.memory_space<vmem>>, vector<16xf32>,
      %swap3A_46 = arith.index_cast %scan3A_19 : i32 to index
      %swap3A_47 = arith.constant 144 : index
      %swap3A_48 = tpu.vector_load %arg5[%swap3A_46, %swap3A_47] {strides = array<i32>} : memref<256x256xf32, #tpu.memory_space<vmem>>, vector<16xf32>,
      tpu.vector_store %arg5[%swap3A_46, %swap3A_47], %broadcast_in_dim3A_7 {strides = array<i32>} : memref<256x256xf32, #tpu.memory_space<vmem>>, vector<16xf32>,
      %swap3A_49 = arith.index_cast %scan3A_19 : i32 to index
      %swap3A_50 = arith.constant 160 : index
      %swap3A_51 = tpu.vector_load %arg5[%swap3A_49, %swap3A_50] {strides = array<i32>} : memref<256x256xf32, #tpu.memory_space<vmem>>, vector<16xf32>,
      tpu.vector_store %arg5[%swap3A_49, %swap3A_50], %broadcast_in_dim3A_7 {strides = array<i32>} : memref<256x256xf32, #tpu.memory_space<vmem>>, vector<16xf32>,
      %swap3A_52 = arith.index_cast %scan3A_19 : i32 to index
      %swap3A_53 = arith.constant 176 : index
      %swap3A_54 = tpu.vector_load %arg5[%swap3A_52, %swap3A_53] {strides = array<i32>} : memref<256x256xf32, #tpu.memory_space<vmem>>, vector<16xf32>,
      tpu.vector_store %arg5[%swap3A_52, %swap3A_53], %broadcast_in_dim3A_7 {strides = array<i32>} : memref<256x256xf32, #tpu.memory_space<vmem>>, vector<16xf32>,
      %swap3A_55 = arith.index_cast %scan3A_19 : i32 to index
      %swap3A_56 = arith.constant 192 : index
      %swap3A_57 = tpu.vector_load %arg5[%swap3A_55, %swap3A_56] {strides = array<i32>} : memref<256x256xf32, #tpu.memory_space<vmem>>, vector<16xf32>,
      tpu.vector_store %arg5[%swap3A_55, %swap3A_56], %broadcast_in_dim3A_7 {strides = array<i32>} : memref<256x256xf32, #tpu.memory_space<vmem>>, vector<16xf32>,
      %swap3A_58 = arith.index_cast %scan3A_19 : i32 to index
      %swap3A_59 = arith.constant 208 : index
      %swap3A_60 = tpu.vector_load %arg5[%swap3A_58, %swap3A_59] {strides = array<i32>} : memref<256x256xf32, #tpu.memory_space<vmem>>, vector<16xf32>,
      tpu.vector_store %arg5[%swap3A_58, %swap3A_59], %broadcast_in_dim3A_7 {strides = array<i32>} : memref<256x256xf32, #tpu.memory_space<vmem>>, vector<16xf32>,
      %swap3A_61 = arith.index_cast %scan3A_19 : i32 to index
      %swap3A_62 = arith.constant 224 : index
      %swap3A_63 = tpu.vector_load %arg5[%swap3A_61, %swap3A_62] {strides = array<i32>} : memref<256x256xf32, #tpu.memory_space<vmem>>, vector<16xf32>,
      tpu.vector_store %arg5[%swap3A_61, %swap3A_62], %broadcast_in_dim3A_7 {strides = array<i32>} : memref<256x256xf32, #tpu.memory_space<vmem>>, vector<16xf32>,
      %swap3A_64 = arith.index_cast %scan3A_19 : i32 to index
      %swap3A_65 = arith.constant 240 : index
      %swap3A_66 = tpu.vector_load %arg5[%swap3A_64, %swap3A_65] {strides = array<i32>} : memref<256x256xf32, #tpu.memory_space<vmem>>, vector<16xf32>,
      tpu.vector_store %arg5[%swap3A_64, %swap3A_65], %broadcast_in_dim3A_7 {strides = array<i32>} : memref<256x256xf32, #tpu.memory_space<vmem>>, vector<16xf32>,
    }
    %scan3A_11 = arith.constant 256 : i32
    %iota3A = tpu.iota {dimensions = array<i32: 0>} : vector<16xi32>
    %lt3A = arith.constant 8 : i32
    %lt3A_12 = vector.broadcast %lt3A : i32 to vector<16xi32>
    %lt3A_13 = arith.cmpi slt, %iota3A, %lt3A_12 : vector<16xi32>
    %scan3A_14 = arith.constant 0 : i32
    %scan3A_15 = arith.constant 8 : i32
    %scan3A_16 = arith.addi %scan3A_14, %scan3A_15 : i32
    %scan3A_17 = arith.constant 1 : i32
    scf.for %scan3A_19 = %scan3A_14 to %scan3A_16 step %scan3A_17  : i32 {
      %mul3A_20 = arith.constant 200 : i32
      %mul3A_21 = arith.muli %scan3A_19, %mul3A_20 : i32
      %add3A_22 = arith.constant 0 : i32
      %add3A_23 = arith.addi %mul3A_21, %add3A_22 : i32
      %get3A = arith.index_cast %add3A_23 : i32 to index
      %get3A_24 = tpu.vector_load %arg7[%get3A] {strides = array<i32>} : memref<1600xi32, #tpu.memory_space<vmem>>, vector<16xi32>,
      %and3A = arith.constant 131071 : i32
      %and3A_25 = vector.broadcast %and3A : i32 to vector<16xi32>
      %and3A_26 = arith.andi %get3A_24, %and3A_25 : vector<16xi32>
      %get3A_27 = arith.index_cast %add3A_23 : i32 to index
      %get3A_28 = tpu.vector_load %arg6[%get3A_27] {strides = array<i32>} : memref<1600xf32, #tpu.memory_space<vmem>>, vector<16xf32>,
      %shift_right_logical3A = arith.constant 8 : i32
      %shift_right_logical3A_29 = vector.broadcast %shift_right_logical3A : i32 to vector<16xi32>
      %shift_right_logical3A_30 = arith.shrui %and3A_26, %shift_right_logical3A_29 : vector<16xi32>
      %and3A_31 = arith.constant 255 : i32
      %and3A_32 = vector.broadcast %and3A_31 : i32 to vector<16xi32>
      %and3A_33 = arith.andi %and3A_26, %and3A_32 : vector<16xi32>
      %eq3A = arith.constant 0 : i32
      %eq3A_34 = vector.broadcast %eq3A : i32 to vector<16xi32>
      %eq3A_35 = arith.cmpi eq, %iota3A, %eq3A_34 : vector<16xi32>
      tpu.vector_store_idx %arg5[%shift_right_logical3A_30, %and3A_33], %get3A_28 masked %eq3A_35 : memref<256x256xf32, #tpu.memory_space<vmem>>[vector<16xi32>, vector<16xi32>], vector<16xf32>, vector<16xi1>
      %eq3A_36 = arith.constant 1 : i32
      %eq3A_37 = vector.broadcast %eq3A_36 : i32 to vector<16xi32>
      %eq3A_38 = arith.cmpi eq, %iota3A, %eq3A_37 : vector<16xi32>
      tpu.vector_store_idx %arg5[%shift_right_logical3A_30, %and3A_33], %get3A_28 masked %eq3A_38 : memref<256x256xf32, #tpu.memory_space<vmem>>[vector<16xi32>, vector<16xi32>], vector<16xf32>, vector<16xi1>
      %eq3A_39 = arith.constant 2 : i32
      %eq3A_40 = vector.broadcast %eq3A_39 : i32 to vector<16xi32>
      %eq3A_41 = arith.cmpi eq, %iota3A, %eq3A_40 : vector<16xi32>
      tpu.vector_store_idx %arg5[%shift_right_logical3A_30, %and3A_33], %get3A_28 masked %eq3A_41 : memref<256x256xf32, #tpu.memory_space<vmem>>[vector<16xi32>, vector<16xi32>], vector<16xf32>, vector<16xi1>
      %eq3A_42 = arith.constant 3 : i32
      %eq3A_43 = vector.broadcast %eq3A_42 : i32 to vector<16xi32>
      %eq3A_44 = arith.cmpi eq, %iota3A, %eq3A_43 : vector<16xi32>
      tpu.vector_store_idx %arg5[%shift_right_logical3A_30, %and3A_33], %get3A_28 masked %eq3A_44 : memref<256x256xf32, #tpu.memory_space<vmem>>[vector<16xi32>, vector<16xi32>], vector<16xf32>, vector<16xi1>
      %eq3A_45 = arith.constant 4 : i32
      %eq3A_46 = vector.broadcast %eq3A_45 : i32 to vector<16xi32>
      %eq3A_47 = arith.cmpi eq, %iota3A, %eq3A_46 : vector<16xi32>
      tpu.vector_store_idx %arg5[%shift_right_logical3A_30, %and3A_33], %get3A_28 masked %eq3A_47 : memref<256x256xf32, #tpu.memory_space<vmem>>[vector<16xi32>, vector<16xi32>], vector<16xf32>, vector<16xi1>
      %eq3A_48 = arith.constant 5 : i32
      %eq3A_49 = vector.broadcast %eq3A_48 : i32 to vector<16xi32>
      %eq3A_50 = arith.cmpi eq, %iota3A, %eq3A_49 : vector<16xi32>
      tpu.vector_store_idx %arg5[%shift_right_logical3A_30, %and3A_33], %get3A_28 masked %eq3A_50 : memref<256x256xf32, #tpu.memory_space<vmem>>[vector<16xi32>, vector<16xi32>], vector<16xf32>, vector<16xi1>
      %eq3A_51 = arith.constant 6 : i32
      %eq3A_52 = vector.broadcast %eq3A_51 : i32 to vector<16xi32>
      %eq3A_53 = arith.cmpi eq, %iota3A, %eq3A_52 : vector<16xi32>
      tpu.vector_store_idx %arg5[%shift_right_logical3A_30, %and3A_33], %get3A_28 masked %eq3A_53 : memref<256x256xf32, #tpu.memory_space<vmem>>[vector<16xi32>, vector<16xi32>], vector<16xf32>, vector<16xi1>
      %eq3A_54 = arith.constant 7 : i32
      %eq3A_55 = vector.broadcast %eq3A_54 : i32 to vector<16xi32>
      %eq3A_56 = arith.cmpi eq, %iota3A, %eq3A_55 : vector<16xi32>
      tpu.vector_store_idx %arg5[%shift_right_logical3A_30, %and3A_33], %get3A_28 masked %eq3A_56 : memref<256x256xf32, #tpu.memory_space<vmem>>[vector<16xi32>, vector<16xi32>], vector<16xf32>, vector<16xi1>
      %eq3A_57 = arith.constant 8 : i32
      %eq3A_58 = vector.broadcast %eq3A_57 : i32 to vector<16xi32>
      %eq3A_59 = arith.cmpi eq, %iota3A, %eq3A_58 : vector<16xi32>
      tpu.vector_store_idx %arg5[%shift_right_logical3A_30, %and3A_33], %get3A_28 masked %eq3A_59 : memref<256x256xf32, #tpu.memory_space<vmem>>[vector<16xi32>, vector<16xi32>], vector<16xf32>, vector<16xi1>
      %eq3A_60 = arith.constant 9 : i32
      %eq3A_61 = vector.broadcast %eq3A_60 : i32 to vector<16xi32>
      %eq3A_62 = arith.cmpi eq, %iota3A, %eq3A_61 : vector<16xi32>
      tpu.vector_store_idx %arg5[%shift_right_logical3A_30, %and3A_33], %get3A_28 masked %eq3A_62 : memref<256x256xf32, #tpu.memory_space<vmem>>[vector<16xi32>, vector<16xi32>], vector<16xf32>, vector<16xi1>
      %eq3A_63 = arith.constant 10 : i32
      %eq3A_64 = vector.broadcast %eq3A_63 : i32 to vector<16xi32>
      %eq3A_65 = arith.cmpi eq, %iota3A, %eq3A_64 : vector<16xi32>
      tpu.vector_store_idx %arg5[%shift_right_logical3A_30, %and3A_33], %get3A_28 masked %eq3A_65 : memref<256x256xf32, #tpu.memory_space<vmem>>[vector<16xi32>, vector<16xi32>], vector<16xf32>, vector<16xi1>
      %eq3A_66 = arith.constant 11 : i32
      %eq3A_67 = vector.broadcast %eq3A_66 : i32 to vector<16xi32>
      %eq3A_68 = arith.cmpi eq, %iota3A, %eq3A_67 : vector<16xi32>
      tpu.vector_store_idx %arg5[%shift_right_logical3A_30, %and3A_33], %get3A_28 masked %eq3A_68 : memref<256x256xf32, #tpu.memory_space<vmem>>[vector<16xi32>, vector<16xi32>], vector<16xf32>, vector<16xi1>
      %eq3A_69 = arith.constant 12 : i32
      %eq3A_70 = vector.broadcast %eq3A_69 : i32 to vector<16xi32>
      %eq3A_71 = arith.cmpi eq, %iota3A, %eq3A_70 : vector<16xi32>
      tpu.vector_store_idx %arg5[%shift_right_logical3A_30, %and3A_33], %get3A_28 masked %eq3A_71 : memref<256x256xf32, #tpu.memory_space<vmem>>[vector<16xi32>, vector<16xi32>], vector<16xf32>, vector<16xi1>
      %eq3A_72 = arith.constant 13 : i32
      %eq3A_73 = vector.broadcast %eq3A_72 : i32 to vector<16xi32>
      %eq3A_74 = arith.cmpi eq, %iota3A, %eq3A_73 : vector<16xi32>
      tpu.vector_store_idx %arg5[%shift_right_logical3A_30, %and3A_33], %get3A_28 masked %eq3A_74 : memref<256x256xf32, #tpu.memory_space<vmem>>[vector<16xi32>, vector<16xi32>], vector<16xf32>, vector<16xi1>
      %eq3A_75 = arith.constant 14 : i32
      %eq3A_76 = vector.broadcast %eq3A_75 : i32 to vector<16xi32>
      %eq3A_77 = arith.cmpi eq, %iota3A, %eq3A_76 : vector<16xi32>
      tpu.vector_store_idx %arg5[%shift_right_logical3A_30, %and3A_33], %get3A_28 masked %eq3A_77 : memref<256x256xf32, #tpu.memory_space<vmem>>[vector<16xi32>, vector<16xi32>], vector<16xf32>, vector<16xi1>
      %eq3A_78 = arith.constant 15 : i32
      %eq3A_79 = vector.broadcast %eq3A_78 : i32 to vector<16xi32>
      %eq3A_80 = arith.cmpi eq, %iota3A, %eq3A_79 : vector<16xi32>
      tpu.vector_store_idx %arg5[%shift_right_logical3A_30, %and3A_33], %get3A_28 masked %eq3A_80 : memref<256x256xf32, #tpu.memory_space<vmem>>[vector<16xi32>, vector<16xi32>], vector<16xf32>, vector<16xi1>
      %mul3A_81 = arith.constant 200 : i32
      %mul3A_82 = arith.muli %scan3A_19, %mul3A_81 : i32
      %add3A_83 = arith.constant 16 : i32
      %add3A_84 = arith.addi %mul3A_82, %add3A_83 : i32
      %get3A_85 = arith.index_cast %add3A_84 : i32 to index
      %get3A_86 = tpu.vector_load %arg7[%get3A_85] {strides = array<i32>} : memref<1600xi32, #tpu.memory_space<vmem>>, vector<16xi32>,
      %and3A_87 = arith.constant 131071 : i32
      %and3A_88 = vector.broadcast %and3A_87 : i32 to vector<16xi32>
      %and3A_89 = arith.andi %get3A_86, %and3A_88 : vector<16xi32>
      %get3A_90 = arith.index_cast %add3A_84 : i32 to index
      %get3A_91 = tpu.vector_load %arg6[%get3A_90] {strides = array<i32>} : memref<1600xf32, #tpu.memory_space<vmem>>, vector<16xf32>,
      %shift_right_logical3A_92 = arith.constant 8 : i32
      %shift_right_logical3A_93 = vector.broadcast %shift_right_logical3A_92 : i32 to vector<16xi32>
      %shift_right_logical3A_94 = arith.shrui %and3A_89, %shift_right_logical3A_93 : vector<16xi32>
      %and3A_95 = arith.constant 255 : i32
      %and3A_96 = vector.broadcast %and3A_95 : i32 to vector<16xi32>
      %and3A_97 = arith.andi %and3A_89, %and3A_96 : vector<16xi32>
      %eq3A_98 = arith.constant 0 : i32
      %eq3A_99 = vector.broadcast %eq3A_98 : i32 to vector<16xi32>
      %eq3A_100 = arith.cmpi eq, %iota3A, %eq3A_99 : vector<16xi32>
      tpu.vector_store_idx %arg5[%shift_right_logical3A_94, %and3A_97], %get3A_91 masked %eq3A_100 : memref<256x256xf32, #tpu.memory_space<vmem>>[vector<16xi32>, vector<16xi32>], vector<16xf32>, vector<16xi1>
      %eq3A_101 = arith.constant 1 : i32
      %eq3A_102 = vector.broadcast %eq3A_101 : i32 to vector<16xi32>
      %eq3A_103 = arith.cmpi eq, %iota3A, %eq3A_102 : vector<16xi32>
      tpu.vector_store_idx %arg5[%shift_right_logical3A_94, %and3A_97], %get3A_91 masked %eq3A_103 : memref<256x256xf32, #tpu.memory_space<vmem>>[vector<16xi32>, vector<16xi32>], vector<16xf32>, vector<16xi1>
      %eq3A_104 = arith.constant 2 : i32
      %eq3A_105 = vector.broadcast %eq3A_104 : i32 to vector<16xi32>
      %eq3A_106 = arith.cmpi eq, %iota3A, %eq3A_105 : vector<16xi32>
      tpu.vector_store_idx %arg5[%shift_right_logical3A_94, %and3A_97], %get3A_91 masked %eq3A_106 : memref<256x256xf32, #tpu.memory_space<vmem>>[vector<16xi32>, vector<16xi32>], vector<16xf32>, vector<16xi1>
      %eq3A_107 = arith.constant 3 : i32
      %eq3A_108 = vector.broadcast %eq3A_107 : i32 to vector<16xi32>
      %eq3A_109 = arith.cmpi eq, %iota3A, %eq3A_108 : vector<16xi32>
      tpu.vector_store_idx %arg5[%shift_right_logical3A_94, %and3A_97], %get3A_91 masked %eq3A_109 : memref<256x256xf32, #tpu.memory_space<vmem>>[vector<16xi32>, vector<16xi32>], vector<16xf32>, vector<16xi1>
      %eq3A_110 = arith.constant 4 : i32
      %eq3A_111 = vector.broadcast %eq3A_110 : i32 to vector<16xi32>
      %eq3A_112 = arith.cmpi eq, %iota3A, %eq3A_111 : vector<16xi32>
      tpu.vector_store_idx %arg5[%shift_right_logical3A_94, %and3A_97], %get3A_91 masked %eq3A_112 : memref<256x256xf32, #tpu.memory_space<vmem>>[vector<16xi32>, vector<16xi32>], vector<16xf32>, vector<16xi1>
      %eq3A_113 = arith.constant 5 : i32
      %eq3A_114 = vector.broadcast %eq3A_113 : i32 to vector<16xi32>
      %eq3A_115 = arith.cmpi eq, %iota3A, %eq3A_114 : vector<16xi32>
      tpu.vector_store_idx %arg5[%shift_right_logical3A_94, %and3A_97], %get3A_91 masked %eq3A_115 : memref<256x256xf32, #tpu.memory_space<vmem>>[vector<16xi32>, vector<16xi32>], vector<16xf32>, vector<16xi1>
      %eq3A_116 = arith.constant 6 : i32
      %eq3A_117 = vector.broadcast %eq3A_116 : i32 to vector<16xi32>
      %eq3A_118 = arith.cmpi eq, %iota3A, %eq3A_117 : vector<16xi32>
      tpu.vector_store_idx %arg5[%shift_right_logical3A_94, %and3A_97], %get3A_91 masked %eq3A_118 : memref<256x256xf32, #tpu.memory_space<vmem>>[vector<16xi32>, vector<16xi32>], vector<16xf32>, vector<16xi1>
      %eq3A_119 = arith.constant 7 : i32
      %eq3A_120 = vector.broadcast %eq3A_119 : i32 to vector<16xi32>
      %eq3A_121 = arith.cmpi eq, %iota3A, %eq3A_120 : vector<16xi32>
      tpu.vector_store_idx %arg5[%shift_right_logical3A_94, %and3A_97], %get3A_91 masked %eq3A_121 : memref<256x256xf32, #tpu.memory_space<vmem>>[vector<16xi32>, vector<16xi32>], vector<16xf32>, vector<16xi1>
      %eq3A_122 = arith.constant 8 : i32
      %eq3A_123 = vector.broadcast %eq3A_122 : i32 to vector<16xi32>
      %eq3A_124 = arith.cmpi eq, %iota3A, %eq3A_123 : vector<16xi32>
      tpu.vector_store_idx %arg5[%shift_right_logical3A_94, %and3A_97], %get3A_91 masked %eq3A_124 : memref<256x256xf32, #tpu.memory_space<vmem>>[vector<16xi32>, vector<16xi32>], vector<16xf32>, vector<16xi1>
      %eq3A_125 = arith.constant 9 : i32
      %eq3A_126 = vector.broadcast %eq3A_125 : i32 to vector<16xi32>
      %eq3A_127 = arith.cmpi eq, %iota3A, %eq3A_126 : vector<16xi32>
      tpu.vector_store_idx %arg5[%shift_right_logical3A_94, %and3A_97], %get3A_91 masked %eq3A_127 : memref<256x256xf32, #tpu.memory_space<vmem>>[vector<16xi32>, vector<16xi32>], vector<16xf32>, vector<16xi1>
      %eq3A_128 = arith.constant 10 : i32
      %eq3A_129 = vector.broadcast %eq3A_128 : i32 to vector<16xi32>
      %eq3A_130 = arith.cmpi eq, %iota3A, %eq3A_129 : vector<16xi32>
      tpu.vector_store_idx %arg5[%shift_right_logical3A_94, %and3A_97], %get3A_91 masked %eq3A_130 : memref<256x256xf32, #tpu.memory_space<vmem>>[vector<16xi32>, vector<16xi32>], vector<16xf32>, vector<16xi1>
      %eq3A_131 = arith.constant 11 : i32
      %eq3A_132 = vector.broadcast %eq3A_131 : i32 to vector<16xi32>
      %eq3A_133 = arith.cmpi eq, %iota3A, %eq3A_132 : vector<16xi32>
      tpu.vector_store_idx %arg5[%shift_right_logical3A_94, %and3A_97], %get3A_91 masked %eq3A_133 : memref<256x256xf32, #tpu.memory_space<vmem>>[vector<16xi32>, vector<16xi32>], vector<16xf32>, vector<16xi1>
      %eq3A_134 = arith.constant 12 : i32
      %eq3A_135 = vector.broadcast %eq3A_134 : i32 to vector<16xi32>
      %eq3A_136 = arith.cmpi eq, %iota3A, %eq3A_135 : vector<16xi32>
      tpu.vector_store_idx %arg5[%shift_right_logical3A_94, %and3A_97], %get3A_91 masked %eq3A_136 : memref<256x256xf32, #tpu.memory_space<vmem>>[vector<16xi32>, vector<16xi32>], vector<16xf32>, vector<16xi1>
      %eq3A_137 = arith.constant 13 : i32
      %eq3A_138 = vector.broadcast %eq3A_137 : i32 to vector<16xi32>
      %eq3A_139 = arith.cmpi eq, %iota3A, %eq3A_138 : vector<16xi32>
      tpu.vector_store_idx %arg5[%shift_right_logical3A_94, %and3A_97], %get3A_91 masked %eq3A_139 : memref<256x256xf32, #tpu.memory_space<vmem>>[vector<16xi32>, vector<16xi32>], vector<16xf32>, vector<16xi1>
      %eq3A_140 = arith.constant 14 : i32
      %eq3A_141 = vector.broadcast %eq3A_140 : i32 to vector<16xi32>
      %eq3A_142 = arith.cmpi eq, %iota3A, %eq3A_141 : vector<16xi32>
      tpu.vector_store_idx %arg5[%shift_right_logical3A_94, %and3A_97], %get3A_91 masked %eq3A_142 : memref<256x256xf32, #tpu.memory_space<vmem>>[vector<16xi32>, vector<16xi32>], vector<16xf32>, vector<16xi1>
      %eq3A_143 = arith.constant 15 : i32
      %eq3A_144 = vector.broadcast %eq3A_143 : i32 to vector<16xi32>
      %eq3A_145 = arith.cmpi eq, %iota3A, %eq3A_144 : vector<16xi32>
      tpu.vector_store_idx %arg5[%shift_right_logical3A_94, %and3A_97], %get3A_91 masked %eq3A_145 : memref<256x256xf32, #tpu.memory_space<vmem>>[vector<16xi32>, vector<16xi32>], vector<16xf32>, vector<16xi1>
      %mul3A_146 = arith.constant 200 : i32
      %mul3A_147 = arith.muli %scan3A_19, %mul3A_146 : i32
      %add3A_148 = arith.constant 32 : i32
      %add3A_149 = arith.addi %mul3A_147, %add3A_148 : i32
      %get3A_150 = arith.index_cast %add3A_149 : i32 to index
      %get3A_151 = tpu.vector_load %arg7[%get3A_150] {strides = array<i32>} : memref<1600xi32, #tpu.memory_space<vmem>>, vector<16xi32>,
      %and3A_152 = arith.constant 131071 : i32
      %and3A_153 = vector.broadcast %and3A_152 : i32 to vector<16xi32>
      %and3A_154 = arith.andi %get3A_151, %and3A_153 : vector<16xi32>
      %get3A_155 = arith.index_cast %add3A_149 : i32 to index
      %get3A_156 = tpu.vector_load %arg6[%get3A_155] {strides = array<i32>} : memref<1600xf32, #tpu.memory_space<vmem>>, vector<16xf32>,
      %shift_right_logical3A_157 = arith.constant 8 : i32
      %shift_right_logical3A_158 = vector.broadcast %shift_right_logical3A_157 : i32 to vector<16xi32>
      %shift_right_logical3A_159 = arith.shrui %and3A_154, %shift_right_logical3A_158 : vector<16xi32>
      %and3A_160 = arith.constant 255 : i32
      %and3A_161 = vector.broadcast %and3A_160 : i32 to vector<16xi32>
      %and3A_162 = arith.andi %and3A_154, %and3A_161 : vector<16xi32>
      %eq3A_163 = arith.constant 0 : i32
      %eq3A_164 = vector.broadcast %eq3A_163 : i32 to vector<16xi32>
      %eq3A_165 = arith.cmpi eq, %iota3A, %eq3A_164 : vector<16xi32>
      tpu.vector_store_idx %arg5[%shift_right_logical3A_159, %and3A_162], %get3A_156 masked %eq3A_165 : memref<256x256xf32, #tpu.memory_space<vmem>>[vector<16xi32>, vector<16xi32>], vector<16xf32>, vector<16xi1>
      %eq3A_166 = arith.constant 1 : i32
      %eq3A_167 = vector.broadcast %eq3A_166 : i32 to vector<16xi32>
      %eq3A_168 = arith.cmpi eq, %iota3A, %eq3A_167 : vector<16xi32>
      tpu.vector_store_idx %arg5[%shift_right_logical3A_159, %and3A_162], %get3A_156 masked %eq3A_168 : memref<256x256xf32, #tpu.memory_space<vmem>>[vector<16xi32>, vector<16xi32>], vector<16xf32>, vector<16xi1>
      %eq3A_169 = arith.constant 2 : i32
      %eq3A_170 = vector.broadcast %eq3A_169 : i32 to vector<16xi32>
      %eq3A_171 = arith.cmpi eq, %iota3A, %eq3A_170 : vector<16xi32>
      tpu.vector_store_idx %arg5[%shift_right_logical3A_159, %and3A_162], %get3A_156 masked %eq3A_171 : memref<256x256xf32, #tpu.memory_space<vmem>>[vector<16xi32>, vector<16xi32>], vector<16xf32>, vector<16xi1>
      %eq3A_172 = arith.constant 3 : i32
      %eq3A_173 = vector.broadcast %eq3A_172 : i32 to vector<16xi32>
      %eq3A_174 = arith.cmpi eq, %iota3A, %eq3A_173 : vector<16xi32>
      tpu.vector_store_idx %arg5[%shift_right_logical3A_159, %and3A_162], %get3A_156 masked %eq3A_174 : memref<256x256xf32, #tpu.memory_space<vmem>>[vector<16xi32>, vector<16xi32>], vector<16xf32>, vector<16xi1>
      %eq3A_175 = arith.constant 4 : i32
      %eq3A_176 = vector.broadcast %eq3A_175 : i32 to vector<16xi32>
      %eq3A_177 = arith.cmpi eq, %iota3A, %eq3A_176 : vector<16xi32>
      tpu.vector_store_idx %arg5[%shift_right_logical3A_159, %and3A_162], %get3A_156 masked %eq3A_177 : memref<256x256xf32, #tpu.memory_space<vmem>>[vector<16xi32>, vector<16xi32>], vector<16xf32>, vector<16xi1>
      %eq3A_178 = arith.constant 5 : i32
      %eq3A_179 = vector.broadcast %eq3A_178 : i32 to vector<16xi32>
      %eq3A_180 = arith.cmpi eq, %iota3A, %eq3A_179 : vector<16xi32>
      tpu.vector_store_idx %arg5[%shift_right_logical3A_159, %and3A_162], %get3A_156 masked %eq3A_180 : memref<256x256xf32, #tpu.memory_space<vmem>>[vector<16xi32>, vector<16xi32>], vector<16xf32>, vector<16xi1>
      %eq3A_181 = arith.constant 6 : i32
      %eq3A_182 = vector.broadcast %eq3A_181 : i32 to vector<16xi32>
      %eq3A_183 = arith.cmpi eq, %iota3A, %eq3A_182 : vector<16xi32>
      tpu.vector_store_idx %arg5[%shift_right_logical3A_159, %and3A_162], %get3A_156 masked %eq3A_183 : memref<256x256xf32, #tpu.memory_space<vmem>>[vector<16xi32>, vector<16xi32>], vector<16xf32>, vector<16xi1>
      %eq3A_184 = arith.constant 7 : i32
      %eq3A_185 = vector.broadcast %eq3A_184 : i32 to vector<16xi32>
      %eq3A_186 = arith.cmpi eq, %iota3A, %eq3A_185 : vector<16xi32>
      tpu.vector_store_idx %arg5[%shift_right_logical3A_159, %and3A_162], %get3A_156 masked %eq3A_186 : memref<256x256xf32, #tpu.memory_space<vmem>>[vector<16xi32>, vector<16xi32>], vector<16xf32>, vector<16xi1>
      %eq3A_187 = arith.constant 8 : i32
      %eq3A_188 = vector.broadcast %eq3A_187 : i32 to vector<16xi32>
      %eq3A_189 = arith.cmpi eq, %iota3A, %eq3A_188 : vector<16xi32>
      tpu.vector_store_idx %arg5[%shift_right_logical3A_159, %and3A_162], %get3A_156 masked %eq3A_189 : memref<256x256xf32, #tpu.memory_space<vmem>>[vector<16xi32>, vector<16xi32>], vector<16xf32>, vector<16xi1>
      %eq3A_190 = arith.constant 9 : i32
      %eq3A_191 = vector.broadcast %eq3A_190 : i32 to vector<16xi32>
      %eq3A_192 = arith.cmpi eq, %iota3A, %eq3A_191 : vector<16xi32>
      tpu.vector_store_idx %arg5[%shift_right_logical3A_159, %and3A_162], %get3A_156 masked %eq3A_192 : memref<256x256xf32, #tpu.memory_space<vmem>>[vector<16xi32>, vector<16xi32>], vector<16xf32>, vector<16xi1>
      %eq3A_193 = arith.constant 10 : i32
      %eq3A_194 = vector.broadcast %eq3A_193 : i32 to vector<16xi32>
      %eq3A_195 = arith.cmpi eq, %iota3A, %eq3A_194 : vector<16xi32>
      tpu.vector_store_idx %arg5[%shift_right_logical3A_159, %and3A_162], %get3A_156 masked %eq3A_195 : memref<256x256xf32, #tpu.memory_space<vmem>>[vector<16xi32>, vector<16xi32>], vector<16xf32>, vector<16xi1>
      %eq3A_196 = arith.constant 11 : i32
      %eq3A_197 = vector.broadcast %eq3A_196 : i32 to vector<16xi32>
      %eq3A_198 = arith.cmpi eq, %iota3A, %eq3A_197 : vector<16xi32>
      tpu.vector_store_idx %arg5[%shift_right_logical3A_159, %and3A_162], %get3A_156 masked %eq3A_198 : memref<256x256xf32, #tpu.memory_space<vmem>>[vector<16xi32>, vector<16xi32>], vector<16xf32>, vector<16xi1>
      %eq3A_199 = arith.constant 12 : i32
      %eq3A_200 = vector.broadcast %eq3A_199 : i32 to vector<16xi32>
      %eq3A_201 = arith.cmpi eq, %iota3A, %eq3A_200 : vector<16xi32>
      tpu.vector_store_idx %arg5[%shift_right_logical3A_159, %and3A_162], %get3A_156 masked %eq3A_201 : memref<256x256xf32, #tpu.memory_space<vmem>>[vector<16xi32>, vector<16xi32>], vector<16xf32>, vector<16xi1>
      %eq3A_202 = arith.constant 13 : i32
      %eq3A_203 = vector.broadcast %eq3A_202 : i32 to vector<16xi32>
      %eq3A_204 = arith.cmpi eq, %iota3A, %eq3A_203 : vector<16xi32>
      tpu.vector_store_idx %arg5[%shift_right_logical3A_159, %and3A_162], %get3A_156 masked %eq3A_204 : memref<256x256xf32, #tpu.memory_space<vmem>>[vector<16xi32>, vector<16xi32>], vector<16xf32>, vector<16xi1>
      %eq3A_205 = arith.constant 14 : i32
      %eq3A_206 = vector.broadcast %eq3A_205 : i32 to vector<16xi32>
      %eq3A_207 = arith.cmpi eq, %iota3A, %eq3A_206 : vector<16xi32>
      tpu.vector_store_idx %arg5[%shift_right_logical3A_159, %and3A_162], %get3A_156 masked %eq3A_207 : memref<256x256xf32, #tpu.memory_space<vmem>>[vector<16xi32>, vector<16xi32>], vector<16xf32>, vector<16xi1>
      %eq3A_208 = arith.constant 15 : i32
      %eq3A_209 = vector.broadcast %eq3A_208 : i32 to vector<16xi32>
      %eq3A_210 = arith.cmpi eq, %iota3A, %eq3A_209 : vector<16xi32>
      tpu.vector_store_idx %arg5[%shift_right_logical3A_159, %and3A_162], %get3A_156 masked %eq3A_210 : memref<256x256xf32, #tpu.memory_space<vmem>>[vector<16xi32>, vector<16xi32>], vector<16xf32>, vector<16xi1>
      %mul3A_211 = arith.constant 200 : i32
      %mul3A_212 = arith.muli %scan3A_19, %mul3A_211 : i32
      %add3A_213 = arith.constant 48 : i32
      %add3A_214 = arith.addi %mul3A_212, %add3A_213 : i32
      %get3A_215 = arith.index_cast %add3A_214 : i32 to index
      %get3A_216 = tpu.vector_load %arg7[%get3A_215] {strides = array<i32>} : memref<1600xi32, #tpu.memory_space<vmem>>, vector<16xi32>,
      %and3A_217 = arith.constant 131071 : i32
      %and3A_218 = vector.broadcast %and3A_217 : i32 to vector<16xi32>
      %and3A_219 = arith.andi %get3A_216, %and3A_218 : vector<16xi32>
      %get3A_220 = arith.index_cast %add3A_214 : i32 to index
      %get3A_221 = tpu.vector_load %arg6[%get3A_220] {strides = array<i32>} : memref<1600xf32, #tpu.memory_space<vmem>>, vector<16xf32>,
      %shift_right_logical3A_222 = arith.constant 8 : i32
      %shift_right_logical3A_223 = vector.broadcast %shift_right_logical3A_222 : i32 to vector<16xi32>
      %shift_right_logical3A_224 = arith.shrui %and3A_219, %shift_right_logical3A_223 : vector<16xi32>
      %and3A_225 = arith.constant 255 : i32
      %and3A_226 = vector.broadcast %and3A_225 : i32 to vector<16xi32>
      %and3A_227 = arith.andi %and3A_219, %and3A_226 : vector<16xi32>
      %eq3A_228 = arith.constant 0 : i32
      %eq3A_229 = vector.broadcast %eq3A_228 : i32 to vector<16xi32>
      %eq3A_230 = arith.cmpi eq, %iota3A, %eq3A_229 : vector<16xi32>
      tpu.vector_store_idx %arg5[%shift_right_logical3A_224, %and3A_227], %get3A_221 masked %eq3A_230 : memref<256x256xf32, #tpu.memory_space<vmem>>[vector<16xi32>, vector<16xi32>], vector<16xf32>, vector<16xi1>
      %eq3A_231 = arith.constant 1 : i32
      %eq3A_232 = vector.broadcast %eq3A_231 : i32 to vector<16xi32>
      %eq3A_233 = arith.cmpi eq, %iota3A, %eq3A_232 : vector<16xi32>
      tpu.vector_store_idx %arg5[%shift_right_logical3A_224, %and3A_227], %get3A_221 masked %eq3A_233 : memref<256x256xf32, #tpu.memory_space<vmem>>[vector<16xi32>, vector<16xi32>], vector<16xf32>, vector<16xi1>
      %eq3A_234 = arith.constant 2 : i32
      %eq3A_235 = vector.broadcast %eq3A_234 : i32 to vector<16xi32>
      %eq3A_236 = arith.cmpi eq, %iota3A, %eq3A_235 : vector<16xi32>
      tpu.vector_store_idx %arg5[%shift_right_logical3A_224, %and3A_227], %get3A_221 masked %eq3A_236 : memref<256x256xf32, #tpu.memory_space<vmem>>[vector<16xi32>, vector<16xi32>], vector<16xf32>, vector<16xi1>
      %eq3A_237 = arith.constant 3 : i32
      %eq3A_238 = vector.broadcast %eq3A_237 : i32 to vector<16xi32>
      %eq3A_239 = arith.cmpi eq, %iota3A, %eq3A_238 : vector<16xi32>
      tpu.vector_store_idx %arg5[%shift_right_logical3A_224, %and3A_227], %get3A_221 masked %eq3A_239 : memref<256x256xf32, #tpu.memory_space<vmem>>[vector<16xi32>, vector<16xi32>], vector<16xf32>, vector<16xi1>
      %eq3A_240 = arith.constant 4 : i32
      %eq3A_241 = vector.broadcast %eq3A_240 : i32 to vector<16xi32>
      %eq3A_242 = arith.cmpi eq, %iota3A, %eq3A_241 : vector<16xi32>
      tpu.vector_store_idx %arg5[%shift_right_logical3A_224, %and3A_227], %get3A_221 masked %eq3A_242 : memref<256x256xf32, #tpu.memory_space<vmem>>[vector<16xi32>, vector<16xi32>], vector<16xf32>, vector<16xi1>
      %eq3A_243 = arith.constant 5 : i32
      %eq3A_244 = vector.broadcast %eq3A_243 : i32 to vector<16xi32>
      %eq3A_245 = arith.cmpi eq, %iota3A, %eq3A_244 : vector<16xi32>
      tpu.vector_store_idx %arg5[%shift_right_logical3A_224, %and3A_227], %get3A_221 masked %eq3A_245 : memref<256x256xf32, #tpu.memory_space<vmem>>[vector<16xi32>, vector<16xi32>], vector<16xf32>, vector<16xi1>
      %eq3A_246 = arith.constant 6 : i32
      %eq3A_247 = vector.broadcast %eq3A_246 : i32 to vector<16xi32>
      %eq3A_248 = arith.cmpi eq, %iota3A, %eq3A_247 : vector<16xi32>
      tpu.vector_store_idx %arg5[%shift_right_logical3A_224, %and3A_227], %get3A_221 masked %eq3A_248 : memref<256x256xf32, #tpu.memory_space<vmem>>[vector<16xi32>, vector<16xi32>], vector<16xf32>, vector<16xi1>
      %eq3A_249 = arith.constant 7 : i32
      %eq3A_250 = vector.broadcast %eq3A_249 : i32 to vector<16xi32>
      %eq3A_251 = arith.cmpi eq, %iota3A, %eq3A_250 : vector<16xi32>
      tpu.vector_store_idx %arg5[%shift_right_logical3A_224, %and3A_227], %get3A_221 masked %eq3A_251 : memref<256x256xf32, #tpu.memory_space<vmem>>[vector<16xi32>, vector<16xi32>], vector<16xf32>, vector<16xi1>
      %eq3A_252 = arith.constant 8 : i32
      %eq3A_253 = vector.broadcast %eq3A_252 : i32 to vector<16xi32>
      %eq3A_254 = arith.cmpi eq, %iota3A, %eq3A_253 : vector<16xi32>
      tpu.vector_store_idx %arg5[%shift_right_logical3A_224, %and3A_227], %get3A_221 masked %eq3A_254 : memref<256x256xf32, #tpu.memory_space<vmem>>[vector<16xi32>, vector<16xi32>], vector<16xf32>, vector<16xi1>
      %eq3A_255 = arith.constant 9 : i32
      %eq3A_256 = vector.broadcast %eq3A_255 : i32 to vector<16xi32>
      %eq3A_257 = arith.cmpi eq, %iota3A, %eq3A_256 : vector<16xi32>
      tpu.vector_store_idx %arg5[%shift_right_logical3A_224, %and3A_227], %get3A_221 masked %eq3A_257 : memref<256x256xf32, #tpu.memory_space<vmem>>[vector<16xi32>, vector<16xi32>], vector<16xf32>, vector<16xi1>
      %eq3A_258 = arith.constant 10 : i32
      %eq3A_259 = vector.broadcast %eq3A_258 : i32 to vector<16xi32>
      %eq3A_260 = arith.cmpi eq, %iota3A, %eq3A_259 : vector<16xi32>
      tpu.vector_store_idx %arg5[%shift_right_logical3A_224, %and3A_227], %get3A_221 masked %eq3A_260 : memref<256x256xf32, #tpu.memory_space<vmem>>[vector<16xi32>, vector<16xi32>], vector<16xf32>, vector<16xi1>
      %eq3A_261 = arith.constant 11 : i32
      %eq3A_262 = vector.broadcast %eq3A_261 : i32 to vector<16xi32>
      %eq3A_263 = arith.cmpi eq, %iota3A, %eq3A_262 : vector<16xi32>
      tpu.vector_store_idx %arg5[%shift_right_logical3A_224, %and3A_227], %get3A_221 masked %eq3A_263 : memref<256x256xf32, #tpu.memory_space<vmem>>[vector<16xi32>, vector<16xi32>], vector<16xf32>, vector<16xi1>
      %eq3A_264 = arith.constant 12 : i32
      %eq3A_265 = vector.broadcast %eq3A_264 : i32 to vector<16xi32>
      %eq3A_266 = arith.cmpi eq, %iota3A, %eq3A_265 : vector<16xi32>
      tpu.vector_store_idx %arg5[%shift_right_logical3A_224, %and3A_227], %get3A_221 masked %eq3A_266 : memref<256x256xf32, #tpu.memory_space<vmem>>[vector<16xi32>, vector<16xi32>], vector<16xf32>, vector<16xi1>
      %eq3A_267 = arith.constant 13 : i32
      %eq3A_268 = vector.broadcast %eq3A_267 : i32 to vector<16xi32>
      %eq3A_269 = arith.cmpi eq, %iota3A, %eq3A_268 : vector<16xi32>
      tpu.vector_store_idx %arg5[%shift_right_logical3A_224, %and3A_227], %get3A_221 masked %eq3A_269 : memref<256x256xf32, #tpu.memory_space<vmem>>[vector<16xi32>, vector<16xi32>], vector<16xf32>, vector<16xi1>
      %eq3A_270 = arith.constant 14 : i32
      %eq3A_271 = vector.broadcast %eq3A_270 : i32 to vector<16xi32>
      %eq3A_272 = arith.cmpi eq, %iota3A, %eq3A_271 : vector<16xi32>
      tpu.vector_store_idx %arg5[%shift_right_logical3A_224, %and3A_227], %get3A_221 masked %eq3A_272 : memref<256x256xf32, #tpu.memory_space<vmem>>[vector<16xi32>, vector<16xi32>], vector<16xf32>, vector<16xi1>
      %eq3A_273 = arith.constant 15 : i32
      %eq3A_274 = vector.broadcast %eq3A_273 : i32 to vector<16xi32>
      %eq3A_275 = arith.cmpi eq, %iota3A, %eq3A_274 : vector<16xi32>
      tpu.vector_store_idx %arg5[%shift_right_logical3A_224, %and3A_227], %get3A_221 masked %eq3A_275 : memref<256x256xf32, #tpu.memory_space<vmem>>[vector<16xi32>, vector<16xi32>], vector<16xf32>, vector<16xi1>
      %mul3A_276 = arith.constant 200 : i32
      %mul3A_277 = arith.muli %scan3A_19, %mul3A_276 : i32
      %add3A_278 = arith.constant 64 : i32
      %add3A_279 = arith.addi %mul3A_277, %add3A_278 : i32
      %get3A_280 = arith.index_cast %add3A_279 : i32 to index
      %get3A_281 = tpu.vector_load %arg7[%get3A_280] {strides = array<i32>} : memref<1600xi32, #tpu.memory_space<vmem>>, vector<16xi32>,
      %and3A_282 = arith.constant 131071 : i32
      %and3A_283 = vector.broadcast %and3A_282 : i32 to vector<16xi32>
      %and3A_284 = arith.andi %get3A_281, %and3A_283 : vector<16xi32>
      %get3A_285 = arith.index_cast %add3A_279 : i32 to index
      %get3A_286 = tpu.vector_load %arg6[%get3A_285] {strides = array<i32>} : memref<1600xf32, #tpu.memory_space<vmem>>, vector<16xf32>,
      %shift_right_logical3A_287 = arith.constant 8 : i32
      %shift_right_logical3A_288 = vector.broadcast %shift_right_logical3A_287 : i32 to vector<16xi32>
      %shift_right_logical3A_289 = arith.shrui %and3A_284, %shift_right_logical3A_288 : vector<16xi32>
      %and3A_290 = arith.constant 255 : i32
      %and3A_291 = vector.broadcast %and3A_290 : i32 to vector<16xi32>
      %and3A_292 = arith.andi %and3A_284, %and3A_291 : vector<16xi32>
      %eq3A_293 = arith.constant 0 : i32
      %eq3A_294 = vector.broadcast %eq3A_293 : i32 to vector<16xi32>
      %eq3A_295 = arith.cmpi eq, %iota3A, %eq3A_294 : vector<16xi32>
      tpu.vector_store_idx %arg5[%shift_right_logical3A_289, %and3A_292], %get3A_286 masked %eq3A_295 : memref<256x256xf32, #tpu.memory_space<vmem>>[vector<16xi32>, vector<16xi32>], vector<16xf32>, vector<16xi1>
      %eq3A_296 = arith.constant 1 : i32
      %eq3A_297 = vector.broadcast %eq3A_296 : i32 to vector<16xi32>
      %eq3A_298 = arith.cmpi eq, %iota3A, %eq3A_297 : vector<16xi32>
      tpu.vector_store_idx %arg5[%shift_right_logical3A_289, %and3A_292], %get3A_286 masked %eq3A_298 : memref<256x256xf32, #tpu.memory_space<vmem>>[vector<16xi32>, vector<16xi32>], vector<16xf32>, vector<16xi1>
      %eq3A_299 = arith.constant 2 : i32
      %eq3A_300 = vector.broadcast %eq3A_299 : i32 to vector<16xi32>
      %eq3A_301 = arith.cmpi eq, %iota3A, %eq3A_300 : vector<16xi32>
      tpu.vector_store_idx %arg5[%shift_right_logical3A_289, %and3A_292], %get3A_286 masked %eq3A_301 : memref<256x256xf32, #tpu.memory_space<vmem>>[vector<16xi32>, vector<16xi32>], vector<16xf32>, vector<16xi1>
      %eq3A_302 = arith.constant 3 : i32
      %eq3A_303 = vector.broadcast %eq3A_302 : i32 to vector<16xi32>
      %eq3A_304 = arith.cmpi eq, %iota3A, %eq3A_303 : vector<16xi32>
      tpu.vector_store_idx %arg5[%shift_right_logical3A_289, %and3A_292], %get3A_286 masked %eq3A_304 : memref<256x256xf32, #tpu.memory_space<vmem>>[vector<16xi32>, vector<16xi32>], vector<16xf32>, vector<16xi1>
      %eq3A_305 = arith.constant 4 : i32
      %eq3A_306 = vector.broadcast %eq3A_305 : i32 to vector<16xi32>
      %eq3A_307 = arith.cmpi eq, %iota3A, %eq3A_306 : vector<16xi32>
      tpu.vector_store_idx %arg5[%shift_right_logical3A_289, %and3A_292], %get3A_286 masked %eq3A_307 : memref<256x256xf32, #tpu.memory_space<vmem>>[vector<16xi32>, vector<16xi32>], vector<16xf32>, vector<16xi1>
      %eq3A_308 = arith.constant 5 : i32
      %eq3A_309 = vector.broadcast %eq3A_308 : i32 to vector<16xi32>
      %eq3A_310 = arith.cmpi eq, %iota3A, %eq3A_309 : vector<16xi32>
      tpu.vector_store_idx %arg5[%shift_right_logical3A_289, %and3A_292], %get3A_286 masked %eq3A_310 : memref<256x256xf32, #tpu.memory_space<vmem>>[vector<16xi32>, vector<16xi32>], vector<16xf32>, vector<16xi1>
      %eq3A_311 = arith.constant 6 : i32
      %eq3A_312 = vector.broadcast %eq3A_311 : i32 to vector<16xi32>
      %eq3A_313 = arith.cmpi eq, %iota3A, %eq3A_312 : vector<16xi32>
      tpu.vector_store_idx %arg5[%shift_right_logical3A_289, %and3A_292], %get3A_286 masked %eq3A_313 : memref<256x256xf32, #tpu.memory_space<vmem>>[vector<16xi32>, vector<16xi32>], vector<16xf32>, vector<16xi1>
      %eq3A_314 = arith.constant 7 : i32
      %eq3A_315 = vector.broadcast %eq3A_314 : i32 to vector<16xi32>
      %eq3A_316 = arith.cmpi eq, %iota3A, %eq3A_315 : vector<16xi32>
      tpu.vector_store_idx %arg5[%shift_right_logical3A_289, %and3A_292], %get3A_286 masked %eq3A_316 : memref<256x256xf32, #tpu.memory_space<vmem>>[vector<16xi32>, vector<16xi32>], vector<16xf32>, vector<16xi1>
      %eq3A_317 = arith.constant 8 : i32
      %eq3A_318 = vector.broadcast %eq3A_317 : i32 to vector<16xi32>
      %eq3A_319 = arith.cmpi eq, %iota3A, %eq3A_318 : vector<16xi32>
      tpu.vector_store_idx %arg5[%shift_right_logical3A_289, %and3A_292], %get3A_286 masked %eq3A_319 : memref<256x256xf32, #tpu.memory_space<vmem>>[vector<16xi32>, vector<16xi32>], vector<16xf32>, vector<16xi1>
      %eq3A_320 = arith.constant 9 : i32
      %eq3A_321 = vector.broadcast %eq3A_320 : i32 to vector<16xi32>
      %eq3A_322 = arith.cmpi eq, %iota3A, %eq3A_321 : vector<16xi32>
      tpu.vector_store_idx %arg5[%shift_right_logical3A_289, %and3A_292], %get3A_286 masked %eq3A_322 : memref<256x256xf32, #tpu.memory_space<vmem>>[vector<16xi32>, vector<16xi32>], vector<16xf32>, vector<16xi1>
      %eq3A_323 = arith.constant 10 : i32
      %eq3A_324 = vector.broadcast %eq3A_323 : i32 to vector<16xi32>
      %eq3A_325 = arith.cmpi eq, %iota3A, %eq3A_324 : vector<16xi32>
      tpu.vector_store_idx %arg5[%shift_right_logical3A_289, %and3A_292], %get3A_286 masked %eq3A_325 : memref<256x256xf32, #tpu.memory_space<vmem>>[vector<16xi32>, vector<16xi32>], vector<16xf32>, vector<16xi1>
      %eq3A_326 = arith.constant 11 : i32
      %eq3A_327 = vector.broadcast %eq3A_326 : i32 to vector<16xi32>
      %eq3A_328 = arith.cmpi eq, %iota3A, %eq3A_327 : vector<16xi32>
      tpu.vector_store_idx %arg5[%shift_right_logical3A_289, %and3A_292], %get3A_286 masked %eq3A_328 : memref<256x256xf32, #tpu.memory_space<vmem>>[vector<16xi32>, vector<16xi32>], vector<16xf32>, vector<16xi1>
      %eq3A_329 = arith.constant 12 : i32
      %eq3A_330 = vector.broadcast %eq3A_329 : i32 to vector<16xi32>
      %eq3A_331 = arith.cmpi eq, %iota3A, %eq3A_330 : vector<16xi32>
      tpu.vector_store_idx %arg5[%shift_right_logical3A_289, %and3A_292], %get3A_286 masked %eq3A_331 : memref<256x256xf32, #tpu.memory_space<vmem>>[vector<16xi32>, vector<16xi32>], vector<16xf32>, vector<16xi1>
      %eq3A_332 = arith.constant 13 : i32
      %eq3A_333 = vector.broadcast %eq3A_332 : i32 to vector<16xi32>
      %eq3A_334 = arith.cmpi eq, %iota3A, %eq3A_333 : vector<16xi32>
      tpu.vector_store_idx %arg5[%shift_right_logical3A_289, %and3A_292], %get3A_286 masked %eq3A_334 : memref<256x256xf32, #tpu.memory_space<vmem>>[vector<16xi32>, vector<16xi32>], vector<16xf32>, vector<16xi1>
      %eq3A_335 = arith.constant 14 : i32
      %eq3A_336 = vector.broadcast %eq3A_335 : i32 to vector<16xi32>
      %eq3A_337 = arith.cmpi eq, %iota3A, %eq3A_336 : vector<16xi32>
      tpu.vector_store_idx %arg5[%shift_right_logical3A_289, %and3A_292], %get3A_286 masked %eq3A_337 : memref<256x256xf32, #tpu.memory_space<vmem>>[vector<16xi32>, vector<16xi32>], vector<16xf32>, vector<16xi1>
      %eq3A_338 = arith.constant 15 : i32
      %eq3A_339 = vector.broadcast %eq3A_338 : i32 to vector<16xi32>
      %eq3A_340 = arith.cmpi eq, %iota3A, %eq3A_339 : vector<16xi32>
      tpu.vector_store_idx %arg5[%shift_right_logical3A_289, %and3A_292], %get3A_286 masked %eq3A_340 : memref<256x256xf32, #tpu.memory_space<vmem>>[vector<16xi32>, vector<16xi32>], vector<16xf32>, vector<16xi1>
      %mul3A_341 = arith.constant 200 : i32
      %mul3A_342 = arith.muli %scan3A_19, %mul3A_341 : i32
      %add3A_343 = arith.constant 80 : i32
      %add3A_344 = arith.addi %mul3A_342, %add3A_343 : i32
      %get3A_345 = arith.index_cast %add3A_344 : i32 to index
      %get3A_346 = tpu.vector_load %arg7[%get3A_345] {strides = array<i32>} : memref<1600xi32, #tpu.memory_space<vmem>>, vector<16xi32>,
      %and3A_347 = arith.constant 131071 : i32
      %and3A_348 = vector.broadcast %and3A_347 : i32 to vector<16xi32>
      %and3A_349 = arith.andi %get3A_346, %and3A_348 : vector<16xi32>
      %get3A_350 = arith.index_cast %add3A_344 : i32 to index
      %get3A_351 = tpu.vector_load %arg6[%get3A_350] {strides = array<i32>} : memref<1600xf32, #tpu.memory_space<vmem>>, vector<16xf32>,
      %shift_right_logical3A_352 = arith.constant 8 : i32
      %shift_right_logical3A_353 = vector.broadcast %shift_right_logical3A_352 : i32 to vector<16xi32>
      %shift_right_logical3A_354 = arith.shrui %and3A_349, %shift_right_logical3A_353 : vector<16xi32>
      %and3A_355 = arith.constant 255 : i32
      %and3A_356 = vector.broadcast %and3A_355 : i32 to vector<16xi32>
      %and3A_357 = arith.andi %and3A_349, %and3A_356 : vector<16xi32>
      %eq3A_358 = arith.constant 0 : i32
      %eq3A_359 = vector.broadcast %eq3A_358 : i32 to vector<16xi32>
      %eq3A_360 = arith.cmpi eq, %iota3A, %eq3A_359 : vector<16xi32>
      tpu.vector_store_idx %arg5[%shift_right_logical3A_354, %and3A_357], %get3A_351 masked %eq3A_360 : memref<256x256xf32, #tpu.memory_space<vmem>>[vector<16xi32>, vector<16xi32>], vector<16xf32>, vector<16xi1>
      %eq3A_361 = arith.constant 1 : i32
      %eq3A_362 = vector.broadcast %eq3A_361 : i32 to vector<16xi32>
      %eq3A_363 = arith.cmpi eq, %iota3A, %eq3A_362 : vector<16xi32>
      tpu.vector_store_idx %arg5[%shift_right_logical3A_354, %and3A_357], %get3A_351 masked %eq3A_363 : memref<256x256xf32, #tpu.memory_space<vmem>>[vector<16xi32>, vector<16xi32>], vector<16xf32>, vector<16xi1>
      %eq3A_364 = arith.constant 2 : i32
      %eq3A_365 = vector.broadcast %eq3A_364 : i32 to vector<16xi32>
      %eq3A_366 = arith.cmpi eq, %iota3A, %eq3A_365 : vector<16xi32>
      tpu.vector_store_idx %arg5[%shift_right_logical3A_354, %and3A_357], %get3A_351 masked %eq3A_366 : memref<256x256xf32, #tpu.memory_space<vmem>>[vector<16xi32>, vector<16xi32>], vector<16xf32>, vector<16xi1>
      %eq3A_367 = arith.constant 3 : i32
      %eq3A_368 = vector.broadcast %eq3A_367 : i32 to vector<16xi32>
      %eq3A_369 = arith.cmpi eq, %iota3A, %eq3A_368 : vector<16xi32>
      tpu.vector_store_idx %arg5[%shift_right_logical3A_354, %and3A_357], %get3A_351 masked %eq3A_369 : memref<256x256xf32, #tpu.memory_space<vmem>>[vector<16xi32>, vector<16xi32>], vector<16xf32>, vector<16xi1>
      %eq3A_370 = arith.constant 4 : i32
      %eq3A_371 = vector.broadcast %eq3A_370 : i32 to vector<16xi32>
      %eq3A_372 = arith.cmpi eq, %iota3A, %eq3A_371 : vector<16xi32>
      tpu.vector_store_idx %arg5[%shift_right_logical3A_354, %and3A_357], %get3A_351 masked %eq3A_372 : memref<256x256xf32, #tpu.memory_space<vmem>>[vector<16xi32>, vector<16xi32>], vector<16xf32>, vector<16xi1>
      %eq3A_373 = arith.constant 5 : i32
      %eq3A_374 = vector.broadcast %eq3A_373 : i32 to vector<16xi32>
      %eq3A_375 = arith.cmpi eq, %iota3A, %eq3A_374 : vector<16xi32>
      tpu.vector_store_idx %arg5[%shift_right_logical3A_354, %and3A_357], %get3A_351 masked %eq3A_375 : memref<256x256xf32, #tpu.memory_space<vmem>>[vector<16xi32>, vector<16xi32>], vector<16xf32>, vector<16xi1>
      %eq3A_376 = arith.constant 6 : i32
      %eq3A_377 = vector.broadcast %eq3A_376 : i32 to vector<16xi32>
      %eq3A_378 = arith.cmpi eq, %iota3A, %eq3A_377 : vector<16xi32>
      tpu.vector_store_idx %arg5[%shift_right_logical3A_354, %and3A_357], %get3A_351 masked %eq3A_378 : memref<256x256xf32, #tpu.memory_space<vmem>>[vector<16xi32>, vector<16xi32>], vector<16xf32>, vector<16xi1>
      %eq3A_379 = arith.constant 7 : i32
      %eq3A_380 = vector.broadcast %eq3A_379 : i32 to vector<16xi32>
      %eq3A_381 = arith.cmpi eq, %iota3A, %eq3A_380 : vector<16xi32>
      tpu.vector_store_idx %arg5[%shift_right_logical3A_354, %and3A_357], %get3A_351 masked %eq3A_381 : memref<256x256xf32, #tpu.memory_space<vmem>>[vector<16xi32>, vector<16xi32>], vector<16xf32>, vector<16xi1>
      %eq3A_382 = arith.constant 8 : i32
      %eq3A_383 = vector.broadcast %eq3A_382 : i32 to vector<16xi32>
      %eq3A_384 = arith.cmpi eq, %iota3A, %eq3A_383 : vector<16xi32>
      tpu.vector_store_idx %arg5[%shift_right_logical3A_354, %and3A_357], %get3A_351 masked %eq3A_384 : memref<256x256xf32, #tpu.memory_space<vmem>>[vector<16xi32>, vector<16xi32>], vector<16xf32>, vector<16xi1>
      %eq3A_385 = arith.constant 9 : i32
      %eq3A_386 = vector.broadcast %eq3A_385 : i32 to vector<16xi32>
      %eq3A_387 = arith.cmpi eq, %iota3A, %eq3A_386 : vector<16xi32>
      tpu.vector_store_idx %arg5[%shift_right_logical3A_354, %and3A_357], %get3A_351 masked %eq3A_387 : memref<256x256xf32, #tpu.memory_space<vmem>>[vector<16xi32>, vector<16xi32>], vector<16xf32>, vector<16xi1>
      %eq3A_388 = arith.constant 10 : i32
      %eq3A_389 = vector.broadcast %eq3A_388 : i32 to vector<16xi32>
      %eq3A_390 = arith.cmpi eq, %iota3A, %eq3A_389 : vector<16xi32>
      tpu.vector_store_idx %arg5[%shift_right_logical3A_354, %and3A_357], %get3A_351 masked %eq3A_390 : memref<256x256xf32, #tpu.memory_space<vmem>>[vector<16xi32>, vector<16xi32>], vector<16xf32>, vector<16xi1>
      %eq3A_391 = arith.constant 11 : i32
      %eq3A_392 = vector.broadcast %eq3A_391 : i32 to vector<16xi32>
      %eq3A_393 = arith.cmpi eq, %iota3A, %eq3A_392 : vector<16xi32>
      tpu.vector_store_idx %arg5[%shift_right_logical3A_354, %and3A_357], %get3A_351 masked %eq3A_393 : memref<256x256xf32, #tpu.memory_space<vmem>>[vector<16xi32>, vector<16xi32>], vector<16xf32>, vector<16xi1>
      %eq3A_394 = arith.constant 12 : i32
      %eq3A_395 = vector.broadcast %eq3A_394 : i32 to vector<16xi32>
      %eq3A_396 = arith.cmpi eq, %iota3A, %eq3A_395 : vector<16xi32>
      tpu.vector_store_idx %arg5[%shift_right_logical3A_354, %and3A_357], %get3A_351 masked %eq3A_396 : memref<256x256xf32, #tpu.memory_space<vmem>>[vector<16xi32>, vector<16xi32>], vector<16xf32>, vector<16xi1>
      %eq3A_397 = arith.constant 13 : i32
      %eq3A_398 = vector.broadcast %eq3A_397 : i32 to vector<16xi32>
      %eq3A_399 = arith.cmpi eq, %iota3A, %eq3A_398 : vector<16xi32>
      tpu.vector_store_idx %arg5[%shift_right_logical3A_354, %and3A_357], %get3A_351 masked %eq3A_399 : memref<256x256xf32, #tpu.memory_space<vmem>>[vector<16xi32>, vector<16xi32>], vector<16xf32>, vector<16xi1>
      %eq3A_400 = arith.constant 14 : i32
      %eq3A_401 = vector.broadcast %eq3A_400 : i32 to vector<16xi32>
      %eq3A_402 = arith.cmpi eq, %iota3A, %eq3A_401 : vector<16xi32>
      tpu.vector_store_idx %arg5[%shift_right_logical3A_354, %and3A_357], %get3A_351 masked %eq3A_402 : memref<256x256xf32, #tpu.memory_space<vmem>>[vector<16xi32>, vector<16xi32>], vector<16xf32>, vector<16xi1>
      %eq3A_403 = arith.constant 15 : i32
      %eq3A_404 = vector.broadcast %eq3A_403 : i32 to vector<16xi32>
      %eq3A_405 = arith.cmpi eq, %iota3A, %eq3A_404 : vector<16xi32>
      tpu.vector_store_idx %arg5[%shift_right_logical3A_354, %and3A_357], %get3A_351 masked %eq3A_405 : memref<256x256xf32, #tpu.memory_space<vmem>>[vector<16xi32>, vector<16xi32>], vector<16xf32>, vector<16xi1>
      %mul3A_406 = arith.constant 200 : i32
      %mul3A_407 = arith.muli %scan3A_19, %mul3A_406 : i32
      %add3A_408 = arith.constant 96 : i32
      %add3A_409 = arith.addi %mul3A_407, %add3A_408 : i32
      %get3A_410 = arith.index_cast %add3A_409 : i32 to index
      %get3A_411 = tpu.vector_load %arg7[%get3A_410] {strides = array<i32>} : memref<1600xi32, #tpu.memory_space<vmem>>, vector<16xi32>,
      %and3A_412 = arith.constant 131071 : i32
      %and3A_413 = vector.broadcast %and3A_412 : i32 to vector<16xi32>
      %and3A_414 = arith.andi %get3A_411, %and3A_413 : vector<16xi32>
      %get3A_415 = arith.index_cast %add3A_409 : i32 to index
      %get3A_416 = tpu.vector_load %arg6[%get3A_415] {strides = array<i32>} : memref<1600xf32, #tpu.memory_space<vmem>>, vector<16xf32>,
      %shift_right_logical3A_417 = arith.constant 8 : i32
      %shift_right_logical3A_418 = vector.broadcast %shift_right_logical3A_417 : i32 to vector<16xi32>
      %shift_right_logical3A_419 = arith.shrui %and3A_414, %shift_right_logical3A_418 : vector<16xi32>
      %and3A_420 = arith.constant 255 : i32
      %and3A_421 = vector.broadcast %and3A_420 : i32 to vector<16xi32>
      %and3A_422 = arith.andi %and3A_414, %and3A_421 : vector<16xi32>
      %eq3A_423 = arith.constant 0 : i32
      %eq3A_424 = vector.broadcast %eq3A_423 : i32 to vector<16xi32>
      %eq3A_425 = arith.cmpi eq, %iota3A, %eq3A_424 : vector<16xi32>
      tpu.vector_store_idx %arg5[%shift_right_logical3A_419, %and3A_422], %get3A_416 masked %eq3A_425 : memref<256x256xf32, #tpu.memory_space<vmem>>[vector<16xi32>, vector<16xi32>], vector<16xf32>, vector<16xi1>
      %eq3A_426 = arith.constant 1 : i32
      %eq3A_427 = vector.broadcast %eq3A_426 : i32 to vector<16xi32>
      %eq3A_428 = arith.cmpi eq, %iota3A, %eq3A_427 : vector<16xi32>
      tpu.vector_store_idx %arg5[%shift_right_logical3A_419, %and3A_422], %get3A_416 masked %eq3A_428 : memref<256x256xf32, #tpu.memory_space<vmem>>[vector<16xi32>, vector<16xi32>], vector<16xf32>, vector<16xi1>
      %eq3A_429 = arith.constant 2 : i32
      %eq3A_430 = vector.broadcast %eq3A_429 : i32 to vector<16xi32>
      %eq3A_431 = arith.cmpi eq, %iota3A, %eq3A_430 : vector<16xi32>
      tpu.vector_store_idx %arg5[%shift_right_logical3A_419, %and3A_422], %get3A_416 masked %eq3A_431 : memref<256x256xf32, #tpu.memory_space<vmem>>[vector<16xi32>, vector<16xi32>], vector<16xf32>, vector<16xi1>
      %eq3A_432 = arith.constant 3 : i32
      %eq3A_433 = vector.broadcast %eq3A_432 : i32 to vector<16xi32>
      %eq3A_434 = arith.cmpi eq, %iota3A, %eq3A_433 : vector<16xi32>
      tpu.vector_store_idx %arg5[%shift_right_logical3A_419, %and3A_422], %get3A_416 masked %eq3A_434 : memref<256x256xf32, #tpu.memory_space<vmem>>[vector<16xi32>, vector<16xi32>], vector<16xf32>, vector<16xi1>
      %eq3A_435 = arith.constant 4 : i32
      %eq3A_436 = vector.broadcast %eq3A_435 : i32 to vector<16xi32>
      %eq3A_437 = arith.cmpi eq, %iota3A, %eq3A_436 : vector<16xi32>
      tpu.vector_store_idx %arg5[%shift_right_logical3A_419, %and3A_422], %get3A_416 masked %eq3A_437 : memref<256x256xf32, #tpu.memory_space<vmem>>[vector<16xi32>, vector<16xi32>], vector<16xf32>, vector<16xi1>
      %eq3A_438 = arith.constant 5 : i32
      %eq3A_439 = vector.broadcast %eq3A_438 : i32 to vector<16xi32>
      %eq3A_440 = arith.cmpi eq, %iota3A, %eq3A_439 : vector<16xi32>
      tpu.vector_store_idx %arg5[%shift_right_logical3A_419, %and3A_422], %get3A_416 masked %eq3A_440 : memref<256x256xf32, #tpu.memory_space<vmem>>[vector<16xi32>, vector<16xi32>], vector<16xf32>, vector<16xi1>
      %eq3A_441 = arith.constant 6 : i32
      %eq3A_442 = vector.broadcast %eq3A_441 : i32 to vector<16xi32>
      %eq3A_443 = arith.cmpi eq, %iota3A, %eq3A_442 : vector<16xi32>
      tpu.vector_store_idx %arg5[%shift_right_logical3A_419, %and3A_422], %get3A_416 masked %eq3A_443 : memref<256x256xf32, #tpu.memory_space<vmem>>[vector<16xi32>, vector<16xi32>], vector<16xf32>, vector<16xi1>
      %eq3A_444 = arith.constant 7 : i32
      %eq3A_445 = vector.broadcast %eq3A_444 : i32 to vector<16xi32>
      %eq3A_446 = arith.cmpi eq, %iota3A, %eq3A_445 : vector<16xi32>
      tpu.vector_store_idx %arg5[%shift_right_logical3A_419, %and3A_422], %get3A_416 masked %eq3A_446 : memref<256x256xf32, #tpu.memory_space<vmem>>[vector<16xi32>, vector<16xi32>], vector<16xf32>, vector<16xi1>
      %eq3A_447 = arith.constant 8 : i32
      %eq3A_448 = vector.broadcast %eq3A_447 : i32 to vector<16xi32>
      %eq3A_449 = arith.cmpi eq, %iota3A, %eq3A_448 : vector<16xi32>
      tpu.vector_store_idx %arg5[%shift_right_logical3A_419, %and3A_422], %get3A_416 masked %eq3A_449 : memref<256x256xf32, #tpu.memory_space<vmem>>[vector<16xi32>, vector<16xi32>], vector<16xf32>, vector<16xi1>
      %eq3A_450 = arith.constant 9 : i32
      %eq3A_451 = vector.broadcast %eq3A_450 : i32 to vector<16xi32>
      %eq3A_452 = arith.cmpi eq, %iota3A, %eq3A_451 : vector<16xi32>
      tpu.vector_store_idx %arg5[%shift_right_logical3A_419, %and3A_422], %get3A_416 masked %eq3A_452 : memref<256x256xf32, #tpu.memory_space<vmem>>[vector<16xi32>, vector<16xi32>], vector<16xf32>, vector<16xi1>
      %eq3A_453 = arith.constant 10 : i32
      %eq3A_454 = vector.broadcast %eq3A_453 : i32 to vector<16xi32>
      %eq3A_455 = arith.cmpi eq, %iota3A, %eq3A_454 : vector<16xi32>
      tpu.vector_store_idx %arg5[%shift_right_logical3A_419, %and3A_422], %get3A_416 masked %eq3A_455 : memref<256x256xf32, #tpu.memory_space<vmem>>[vector<16xi32>, vector<16xi32>], vector<16xf32>, vector<16xi1>
      %eq3A_456 = arith.constant 11 : i32
      %eq3A_457 = vector.broadcast %eq3A_456 : i32 to vector<16xi32>
      %eq3A_458 = arith.cmpi eq, %iota3A, %eq3A_457 : vector<16xi32>
      tpu.vector_store_idx %arg5[%shift_right_logical3A_419, %and3A_422], %get3A_416 masked %eq3A_458 : memref<256x256xf32, #tpu.memory_space<vmem>>[vector<16xi32>, vector<16xi32>], vector<16xf32>, vector<16xi1>
      %eq3A_459 = arith.constant 12 : i32
      %eq3A_460 = vector.broadcast %eq3A_459 : i32 to vector<16xi32>
      %eq3A_461 = arith.cmpi eq, %iota3A, %eq3A_460 : vector<16xi32>
      tpu.vector_store_idx %arg5[%shift_right_logical3A_419, %and3A_422], %get3A_416 masked %eq3A_461 : memref<256x256xf32, #tpu.memory_space<vmem>>[vector<16xi32>, vector<16xi32>], vector<16xf32>, vector<16xi1>
      %eq3A_462 = arith.constant 13 : i32
      %eq3A_463 = vector.broadcast %eq3A_462 : i32 to vector<16xi32>
      %eq3A_464 = arith.cmpi eq, %iota3A, %eq3A_463 : vector<16xi32>
      tpu.vector_store_idx %arg5[%shift_right_logical3A_419, %and3A_422], %get3A_416 masked %eq3A_464 : memref<256x256xf32, #tpu.memory_space<vmem>>[vector<16xi32>, vector<16xi32>], vector<16xf32>, vector<16xi1>
      %eq3A_465 = arith.constant 14 : i32
      %eq3A_466 = vector.broadcast %eq3A_465 : i32 to vector<16xi32>
      %eq3A_467 = arith.cmpi eq, %iota3A, %eq3A_466 : vector<16xi32>
      tpu.vector_store_idx %arg5[%shift_right_logical3A_419, %and3A_422], %get3A_416 masked %eq3A_467 : memref<256x256xf32, #tpu.memory_space<vmem>>[vector<16xi32>, vector<16xi32>], vector<16xf32>, vector<16xi1>
      %eq3A_468 = arith.constant 15 : i32
      %eq3A_469 = vector.broadcast %eq3A_468 : i32 to vector<16xi32>
      %eq3A_470 = arith.cmpi eq, %iota3A, %eq3A_469 : vector<16xi32>
      tpu.vector_store_idx %arg5[%shift_right_logical3A_419, %and3A_422], %get3A_416 masked %eq3A_470 : memref<256x256xf32, #tpu.memory_space<vmem>>[vector<16xi32>, vector<16xi32>], vector<16xf32>, vector<16xi1>
      %mul3A_471 = arith.constant 200 : i32
      %mul3A_472 = arith.muli %scan3A_19, %mul3A_471 : i32
      %add3A_473 = arith.constant 112 : i32
      %add3A_474 = arith.addi %mul3A_472, %add3A_473 : i32
      %get3A_475 = arith.index_cast %add3A_474 : i32 to index
      %get3A_476 = tpu.vector_load %arg7[%get3A_475] {strides = array<i32>} : memref<1600xi32, #tpu.memory_space<vmem>>, vector<16xi32>,
      %and3A_477 = arith.constant 131071 : i32
      %and3A_478 = vector.broadcast %and3A_477 : i32 to vector<16xi32>
      %and3A_479 = arith.andi %get3A_476, %and3A_478 : vector<16xi32>
      %get3A_480 = arith.index_cast %add3A_474 : i32 to index
      %get3A_481 = tpu.vector_load %arg6[%get3A_480] {strides = array<i32>} : memref<1600xf32, #tpu.memory_space<vmem>>, vector<16xf32>,
      %shift_right_logical3A_482 = arith.constant 8 : i32
      %shift_right_logical3A_483 = vector.broadcast %shift_right_logical3A_482 : i32 to vector<16xi32>
      %shift_right_logical3A_484 = arith.shrui %and3A_479, %shift_right_logical3A_483 : vector<16xi32>
      %and3A_485 = arith.constant 255 : i32
      %and3A_486 = vector.broadcast %and3A_485 : i32 to vector<16xi32>
      %and3A_487 = arith.andi %and3A_479, %and3A_486 : vector<16xi32>
      %eq3A_488 = arith.constant 0 : i32
      %eq3A_489 = vector.broadcast %eq3A_488 : i32 to vector<16xi32>
      %eq3A_490 = arith.cmpi eq, %iota3A, %eq3A_489 : vector<16xi32>
      tpu.vector_store_idx %arg5[%shift_right_logical3A_484, %and3A_487], %get3A_481 masked %eq3A_490 : memref<256x256xf32, #tpu.memory_space<vmem>>[vector<16xi32>, vector<16xi32>], vector<16xf32>, vector<16xi1>
      %eq3A_491 = arith.constant 1 : i32
      %eq3A_492 = vector.broadcast %eq3A_491 : i32 to vector<16xi32>
      %eq3A_493 = arith.cmpi eq, %iota3A, %eq3A_492 : vector<16xi32>
      tpu.vector_store_idx %arg5[%shift_right_logical3A_484, %and3A_487], %get3A_481 masked %eq3A_493 : memref<256x256xf32, #tpu.memory_space<vmem>>[vector<16xi32>, vector<16xi32>], vector<16xf32>, vector<16xi1>
      %eq3A_494 = arith.constant 2 : i32
      %eq3A_495 = vector.broadcast %eq3A_494 : i32 to vector<16xi32>
      %eq3A_496 = arith.cmpi eq, %iota3A, %eq3A_495 : vector<16xi32>
      tpu.vector_store_idx %arg5[%shift_right_logical3A_484, %and3A_487], %get3A_481 masked %eq3A_496 : memref<256x256xf32, #tpu.memory_space<vmem>>[vector<16xi32>, vector<16xi32>], vector<16xf32>, vector<16xi1>
      %eq3A_497 = arith.constant 3 : i32
      %eq3A_498 = vector.broadcast %eq3A_497 : i32 to vector<16xi32>
      %eq3A_499 = arith.cmpi eq, %iota3A, %eq3A_498 : vector<16xi32>
      tpu.vector_store_idx %arg5[%shift_right_logical3A_484, %and3A_487], %get3A_481 masked %eq3A_499 : memref<256x256xf32, #tpu.memory_space<vmem>>[vector<16xi32>, vector<16xi32>], vector<16xf32>, vector<16xi1>
      %eq3A_500 = arith.constant 4 : i32
      %eq3A_501 = vector.broadcast %eq3A_500 : i32 to vector<16xi32>
      %eq3A_502 = arith.cmpi eq, %iota3A, %eq3A_501 : vector<16xi32>
      tpu.vector_store_idx %arg5[%shift_right_logical3A_484, %and3A_487], %get3A_481 masked %eq3A_502 : memref<256x256xf32, #tpu.memory_space<vmem>>[vector<16xi32>, vector<16xi32>], vector<16xf32>, vector<16xi1>
      %eq3A_503 = arith.constant 5 : i32
      %eq3A_504 = vector.broadcast %eq3A_503 : i32 to vector<16xi32>
      %eq3A_505 = arith.cmpi eq, %iota3A, %eq3A_504 : vector<16xi32>
      tpu.vector_store_idx %arg5[%shift_right_logical3A_484, %and3A_487], %get3A_481 masked %eq3A_505 : memref<256x256xf32, #tpu.memory_space<vmem>>[vector<16xi32>, vector<16xi32>], vector<16xf32>, vector<16xi1>
      %eq3A_506 = arith.constant 6 : i32
      %eq3A_507 = vector.broadcast %eq3A_506 : i32 to vector<16xi32>
      %eq3A_508 = arith.cmpi eq, %iota3A, %eq3A_507 : vector<16xi32>
      tpu.vector_store_idx %arg5[%shift_right_logical3A_484, %and3A_487], %get3A_481 masked %eq3A_508 : memref<256x256xf32, #tpu.memory_space<vmem>>[vector<16xi32>, vector<16xi32>], vector<16xf32>, vector<16xi1>
      %eq3A_509 = arith.constant 7 : i32
      %eq3A_510 = vector.broadcast %eq3A_509 : i32 to vector<16xi32>
      %eq3A_511 = arith.cmpi eq, %iota3A, %eq3A_510 : vector<16xi32>
      tpu.vector_store_idx %arg5[%shift_right_logical3A_484, %and3A_487], %get3A_481 masked %eq3A_511 : memref<256x256xf32, #tpu.memory_space<vmem>>[vector<16xi32>, vector<16xi32>], vector<16xf32>, vector<16xi1>
      %eq3A_512 = arith.constant 8 : i32
      %eq3A_513 = vector.broadcast %eq3A_512 : i32 to vector<16xi32>
      %eq3A_514 = arith.cmpi eq, %iota3A, %eq3A_513 : vector<16xi32>
      tpu.vector_store_idx %arg5[%shift_right_logical3A_484, %and3A_487], %get3A_481 masked %eq3A_514 : memref<256x256xf32, #tpu.memory_space<vmem>>[vector<16xi32>, vector<16xi32>], vector<16xf32>, vector<16xi1>
      %eq3A_515 = arith.constant 9 : i32
      %eq3A_516 = vector.broadcast %eq3A_515 : i32 to vector<16xi32>
      %eq3A_517 = arith.cmpi eq, %iota3A, %eq3A_516 : vector<16xi32>
      tpu.vector_store_idx %arg5[%shift_right_logical3A_484, %and3A_487], %get3A_481 masked %eq3A_517 : memref<256x256xf32, #tpu.memory_space<vmem>>[vector<16xi32>, vector<16xi32>], vector<16xf32>, vector<16xi1>
      %eq3A_518 = arith.constant 10 : i32
      %eq3A_519 = vector.broadcast %eq3A_518 : i32 to vector<16xi32>
      %eq3A_520 = arith.cmpi eq, %iota3A, %eq3A_519 : vector<16xi32>
      tpu.vector_store_idx %arg5[%shift_right_logical3A_484, %and3A_487], %get3A_481 masked %eq3A_520 : memref<256x256xf32, #tpu.memory_space<vmem>>[vector<16xi32>, vector<16xi32>], vector<16xf32>, vector<16xi1>
      %eq3A_521 = arith.constant 11 : i32
      %eq3A_522 = vector.broadcast %eq3A_521 : i32 to vector<16xi32>
      %eq3A_523 = arith.cmpi eq, %iota3A, %eq3A_522 : vector<16xi32>
      tpu.vector_store_idx %arg5[%shift_right_logical3A_484, %and3A_487], %get3A_481 masked %eq3A_523 : memref<256x256xf32, #tpu.memory_space<vmem>>[vector<16xi32>, vector<16xi32>], vector<16xf32>, vector<16xi1>
      %eq3A_524 = arith.constant 12 : i32
      %eq3A_525 = vector.broadcast %eq3A_524 : i32 to vector<16xi32>
      %eq3A_526 = arith.cmpi eq, %iota3A, %eq3A_525 : vector<16xi32>
      tpu.vector_store_idx %arg5[%shift_right_logical3A_484, %and3A_487], %get3A_481 masked %eq3A_526 : memref<256x256xf32, #tpu.memory_space<vmem>>[vector<16xi32>, vector<16xi32>], vector<16xf32>, vector<16xi1>
      %eq3A_527 = arith.constant 13 : i32
      %eq3A_528 = vector.broadcast %eq3A_527 : i32 to vector<16xi32>
      %eq3A_529 = arith.cmpi eq, %iota3A, %eq3A_528 : vector<16xi32>
      tpu.vector_store_idx %arg5[%shift_right_logical3A_484, %and3A_487], %get3A_481 masked %eq3A_529 : memref<256x256xf32, #tpu.memory_space<vmem>>[vector<16xi32>, vector<16xi32>], vector<16xf32>, vector<16xi1>
      %eq3A_530 = arith.constant 14 : i32
      %eq3A_531 = vector.broadcast %eq3A_530 : i32 to vector<16xi32>
      %eq3A_532 = arith.cmpi eq, %iota3A, %eq3A_531 : vector<16xi32>
      tpu.vector_store_idx %arg5[%shift_right_logical3A_484, %and3A_487], %get3A_481 masked %eq3A_532 : memref<256x256xf32, #tpu.memory_space<vmem>>[vector<16xi32>, vector<16xi32>], vector<16xf32>, vector<16xi1>
      %eq3A_533 = arith.constant 15 : i32
      %eq3A_534 = vector.broadcast %eq3A_533 : i32 to vector<16xi32>
      %eq3A_535 = arith.cmpi eq, %iota3A, %eq3A_534 : vector<16xi32>
      tpu.vector_store_idx %arg5[%shift_right_logical3A_484, %and3A_487], %get3A_481 masked %eq3A_535 : memref<256x256xf32, #tpu.memory_space<vmem>>[vector<16xi32>, vector<16xi32>], vector<16xf32>, vector<16xi1>
      %mul3A_536 = arith.constant 200 : i32
      %mul3A_537 = arith.muli %scan3A_19, %mul3A_536 : i32
      %add3A_538 = arith.constant 128 : i32
      %add3A_539 = arith.addi %mul3A_537, %add3A_538 : i32
      %get3A_540 = arith.index_cast %add3A_539 : i32 to index
      %get3A_541 = tpu.vector_load %arg7[%get3A_540] {strides = array<i32>} : memref<1600xi32, #tpu.memory_space<vmem>>, vector<16xi32>,
      %and3A_542 = arith.constant 131071 : i32
      %and3A_543 = vector.broadcast %and3A_542 : i32 to vector<16xi32>
      %and3A_544 = arith.andi %get3A_541, %and3A_543 : vector<16xi32>
      %get3A_545 = arith.index_cast %add3A_539 : i32 to index
      %get3A_546 = tpu.vector_load %arg6[%get3A_545] {strides = array<i32>} : memref<1600xf32, #tpu.memory_space<vmem>>, vector<16xf32>,
      %shift_right_logical3A_547 = arith.constant 8 : i32
      %shift_right_logical3A_548 = vector.broadcast %shift_right_logical3A_547 : i32 to vector<16xi32>
      %shift_right_logical3A_549 = arith.shrui %and3A_544, %shift_right_logical3A_548 : vector<16xi32>
      %and3A_550 = arith.constant 255 : i32
      %and3A_551 = vector.broadcast %and3A_550 : i32 to vector<16xi32>
      %and3A_552 = arith.andi %and3A_544, %and3A_551 : vector<16xi32>
      %eq3A_553 = arith.constant 0 : i32
      %eq3A_554 = vector.broadcast %eq3A_553 : i32 to vector<16xi32>
      %eq3A_555 = arith.cmpi eq, %iota3A, %eq3A_554 : vector<16xi32>
      tpu.vector_store_idx %arg5[%shift_right_logical3A_549, %and3A_552], %get3A_546 masked %eq3A_555 : memref<256x256xf32, #tpu.memory_space<vmem>>[vector<16xi32>, vector<16xi32>], vector<16xf32>, vector<16xi1>
      %eq3A_556 = arith.constant 1 : i32
      %eq3A_557 = vector.broadcast %eq3A_556 : i32 to vector<16xi32>
      %eq3A_558 = arith.cmpi eq, %iota3A, %eq3A_557 : vector<16xi32>
      tpu.vector_store_idx %arg5[%shift_right_logical3A_549, %and3A_552], %get3A_546 masked %eq3A_558 : memref<256x256xf32, #tpu.memory_space<vmem>>[vector<16xi32>, vector<16xi32>], vector<16xf32>, vector<16xi1>
      %eq3A_559 = arith.constant 2 : i32
      %eq3A_560 = vector.broadcast %eq3A_559 : i32 to vector<16xi32>
      %eq3A_561 = arith.cmpi eq, %iota3A, %eq3A_560 : vector<16xi32>
      tpu.vector_store_idx %arg5[%shift_right_logical3A_549, %and3A_552], %get3A_546 masked %eq3A_561 : memref<256x256xf32, #tpu.memory_space<vmem>>[vector<16xi32>, vector<16xi32>], vector<16xf32>, vector<16xi1>
      %eq3A_562 = arith.constant 3 : i32
      %eq3A_563 = vector.broadcast %eq3A_562 : i32 to vector<16xi32>
      %eq3A_564 = arith.cmpi eq, %iota3A, %eq3A_563 : vector<16xi32>
      tpu.vector_store_idx %arg5[%shift_right_logical3A_549, %and3A_552], %get3A_546 masked %eq3A_564 : memref<256x256xf32, #tpu.memory_space<vmem>>[vector<16xi32>, vector<16xi32>], vector<16xf32>, vector<16xi1>
      %eq3A_565 = arith.constant 4 : i32
      %eq3A_566 = vector.broadcast %eq3A_565 : i32 to vector<16xi32>
      %eq3A_567 = arith.cmpi eq, %iota3A, %eq3A_566 : vector<16xi32>
      tpu.vector_store_idx %arg5[%shift_right_logical3A_549, %and3A_552], %get3A_546 masked %eq3A_567 : memref<256x256xf32, #tpu.memory_space<vmem>>[vector<16xi32>, vector<16xi32>], vector<16xf32>, vector<16xi1>
      %eq3A_568 = arith.constant 5 : i32
      %eq3A_569 = vector.broadcast %eq3A_568 : i32 to vector<16xi32>
      %eq3A_570 = arith.cmpi eq, %iota3A, %eq3A_569 : vector<16xi32>
      tpu.vector_store_idx %arg5[%shift_right_logical3A_549, %and3A_552], %get3A_546 masked %eq3A_570 : memref<256x256xf32, #tpu.memory_space<vmem>>[vector<16xi32>, vector<16xi32>], vector<16xf32>, vector<16xi1>
      %eq3A_571 = arith.constant 6 : i32
      %eq3A_572 = vector.broadcast %eq3A_571 : i32 to vector<16xi32>
      %eq3A_573 = arith.cmpi eq, %iota3A, %eq3A_572 : vector<16xi32>
      tpu.vector_store_idx %arg5[%shift_right_logical3A_549, %and3A_552], %get3A_546 masked %eq3A_573 : memref<256x256xf32, #tpu.memory_space<vmem>>[vector<16xi32>, vector<16xi32>], vector<16xf32>, vector<16xi1>
      %eq3A_574 = arith.constant 7 : i32
      %eq3A_575 = vector.broadcast %eq3A_574 : i32 to vector<16xi32>
      %eq3A_576 = arith.cmpi eq, %iota3A, %eq3A_575 : vector<16xi32>
      tpu.vector_store_idx %arg5[%shift_right_logical3A_549, %and3A_552], %get3A_546 masked %eq3A_576 : memref<256x256xf32, #tpu.memory_space<vmem>>[vector<16xi32>, vector<16xi32>], vector<16xf32>, vector<16xi1>
      %eq3A_577 = arith.constant 8 : i32
      %eq3A_578 = vector.broadcast %eq3A_577 : i32 to vector<16xi32>
      %eq3A_579 = arith.cmpi eq, %iota3A, %eq3A_578 : vector<16xi32>
      tpu.vector_store_idx %arg5[%shift_right_logical3A_549, %and3A_552], %get3A_546 masked %eq3A_579 : memref<256x256xf32, #tpu.memory_space<vmem>>[vector<16xi32>, vector<16xi32>], vector<16xf32>, vector<16xi1>
      %eq3A_580 = arith.constant 9 : i32
      %eq3A_581 = vector.broadcast %eq3A_580 : i32 to vector<16xi32>
      %eq3A_582 = arith.cmpi eq, %iota3A, %eq3A_581 : vector<16xi32>
      tpu.vector_store_idx %arg5[%shift_right_logical3A_549, %and3A_552], %get3A_546 masked %eq3A_582 : memref<256x256xf32, #tpu.memory_space<vmem>>[vector<16xi32>, vector<16xi32>], vector<16xf32>, vector<16xi1>
      %eq3A_583 = arith.constant 10 : i32
      %eq3A_584 = vector.broadcast %eq3A_583 : i32 to vector<16xi32>
      %eq3A_585 = arith.cmpi eq, %iota3A, %eq3A_584 : vector<16xi32>
      tpu.vector_store_idx %arg5[%shift_right_logical3A_549, %and3A_552], %get3A_546 masked %eq3A_585 : memref<256x256xf32, #tpu.memory_space<vmem>>[vector<16xi32>, vector<16xi32>], vector<16xf32>, vector<16xi1>
      %eq3A_586 = arith.constant 11 : i32
      %eq3A_587 = vector.broadcast %eq3A_586 : i32 to vector<16xi32>
      %eq3A_588 = arith.cmpi eq, %iota3A, %eq3A_587 : vector<16xi32>
      tpu.vector_store_idx %arg5[%shift_right_logical3A_549, %and3A_552], %get3A_546 masked %eq3A_588 : memref<256x256xf32, #tpu.memory_space<vmem>>[vector<16xi32>, vector<16xi32>], vector<16xf32>, vector<16xi1>
      %eq3A_589 = arith.constant 12 : i32
      %eq3A_590 = vector.broadcast %eq3A_589 : i32 to vector<16xi32>
      %eq3A_591 = arith.cmpi eq, %iota3A, %eq3A_590 : vector<16xi32>
      tpu.vector_store_idx %arg5[%shift_right_logical3A_549, %and3A_552], %get3A_546 masked %eq3A_591 : memref<256x256xf32, #tpu.memory_space<vmem>>[vector<16xi32>, vector<16xi32>], vector<16xf32>, vector<16xi1>
      %eq3A_592 = arith.constant 13 : i32
      %eq3A_593 = vector.broadcast %eq3A_592 : i32 to vector<16xi32>
      %eq3A_594 = arith.cmpi eq, %iota3A, %eq3A_593 : vector<16xi32>
      tpu.vector_store_idx %arg5[%shift_right_logical3A_549, %and3A_552], %get3A_546 masked %eq3A_594 : memref<256x256xf32, #tpu.memory_space<vmem>>[vector<16xi32>, vector<16xi32>], vector<16xf32>, vector<16xi1>
      %eq3A_595 = arith.constant 14 : i32
      %eq3A_596 = vector.broadcast %eq3A_595 : i32 to vector<16xi32>
      %eq3A_597 = arith.cmpi eq, %iota3A, %eq3A_596 : vector<16xi32>
      tpu.vector_store_idx %arg5[%shift_right_logical3A_549, %and3A_552], %get3A_546 masked %eq3A_597 : memref<256x256xf32, #tpu.memory_space<vmem>>[vector<16xi32>, vector<16xi32>], vector<16xf32>, vector<16xi1>
      %eq3A_598 = arith.constant 15 : i32
      %eq3A_599 = vector.broadcast %eq3A_598 : i32 to vector<16xi32>
      %eq3A_600 = arith.cmpi eq, %iota3A, %eq3A_599 : vector<16xi32>
      tpu.vector_store_idx %arg5[%shift_right_logical3A_549, %and3A_552], %get3A_546 masked %eq3A_600 : memref<256x256xf32, #tpu.memory_space<vmem>>[vector<16xi32>, vector<16xi32>], vector<16xf32>, vector<16xi1>
      %mul3A_601 = arith.constant 200 : i32
      %mul3A_602 = arith.muli %scan3A_19, %mul3A_601 : i32
      %add3A_603 = arith.constant 144 : i32
      %add3A_604 = arith.addi %mul3A_602, %add3A_603 : i32
      %get3A_605 = arith.index_cast %add3A_604 : i32 to index
      %get3A_606 = tpu.vector_load %arg7[%get3A_605] {strides = array<i32>} : memref<1600xi32, #tpu.memory_space<vmem>>, vector<16xi32>,
      %and3A_607 = arith.constant 131071 : i32
      %and3A_608 = vector.broadcast %and3A_607 : i32 to vector<16xi32>
      %and3A_609 = arith.andi %get3A_606, %and3A_608 : vector<16xi32>
      %get3A_610 = arith.index_cast %add3A_604 : i32 to index
      %get3A_611 = tpu.vector_load %arg6[%get3A_610] {strides = array<i32>} : memref<1600xf32, #tpu.memory_space<vmem>>, vector<16xf32>,
      %shift_right_logical3A_612 = arith.constant 8 : i32
      %shift_right_logical3A_613 = vector.broadcast %shift_right_logical3A_612 : i32 to vector<16xi32>
      %shift_right_logical3A_614 = arith.shrui %and3A_609, %shift_right_logical3A_613 : vector<16xi32>
      %and3A_615 = arith.constant 255 : i32
      %and3A_616 = vector.broadcast %and3A_615 : i32 to vector<16xi32>
      %and3A_617 = arith.andi %and3A_609, %and3A_616 : vector<16xi32>
      %eq3A_618 = arith.constant 0 : i32
      %eq3A_619 = vector.broadcast %eq3A_618 : i32 to vector<16xi32>
      %eq3A_620 = arith.cmpi eq, %iota3A, %eq3A_619 : vector<16xi32>
      tpu.vector_store_idx %arg5[%shift_right_logical3A_614, %and3A_617], %get3A_611 masked %eq3A_620 : memref<256x256xf32, #tpu.memory_space<vmem>>[vector<16xi32>, vector<16xi32>], vector<16xf32>, vector<16xi1>
      %eq3A_621 = arith.constant 1 : i32
      %eq3A_622 = vector.broadcast %eq3A_621 : i32 to vector<16xi32>
      %eq3A_623 = arith.cmpi eq, %iota3A, %eq3A_622 : vector<16xi32>
      tpu.vector_store_idx %arg5[%shift_right_logical3A_614, %and3A_617], %get3A_611 masked %eq3A_623 : memref<256x256xf32, #tpu.memory_space<vmem>>[vector<16xi32>, vector<16xi32>], vector<16xf32>, vector<16xi1>
      %eq3A_624 = arith.constant 2 : i32
      %eq3A_625 = vector.broadcast %eq3A_624 : i32 to vector<16xi32>
      %eq3A_626 = arith.cmpi eq, %iota3A, %eq3A_625 : vector<16xi32>
      tpu.vector_store_idx %arg5[%shift_right_logical3A_614, %and3A_617], %get3A_611 masked %eq3A_626 : memref<256x256xf32, #tpu.memory_space<vmem>>[vector<16xi32>, vector<16xi32>], vector<16xf32>, vector<16xi1>
      %eq3A_627 = arith.constant 3 : i32
      %eq3A_628 = vector.broadcast %eq3A_627 : i32 to vector<16xi32>
      %eq3A_629 = arith.cmpi eq, %iota3A, %eq3A_628 : vector<16xi32>
      tpu.vector_store_idx %arg5[%shift_right_logical3A_614, %and3A_617], %get3A_611 masked %eq3A_629 : memref<256x256xf32, #tpu.memory_space<vmem>>[vector<16xi32>, vector<16xi32>], vector<16xf32>, vector<16xi1>
      %eq3A_630 = arith.constant 4 : i32
      %eq3A_631 = vector.broadcast %eq3A_630 : i32 to vector<16xi32>
      %eq3A_632 = arith.cmpi eq, %iota3A, %eq3A_631 : vector<16xi32>
      tpu.vector_store_idx %arg5[%shift_right_logical3A_614, %and3A_617], %get3A_611 masked %eq3A_632 : memref<256x256xf32, #tpu.memory_space<vmem>>[vector<16xi32>, vector<16xi32>], vector<16xf32>, vector<16xi1>
      %eq3A_633 = arith.constant 5 : i32
      %eq3A_634 = vector.broadcast %eq3A_633 : i32 to vector<16xi32>
      %eq3A_635 = arith.cmpi eq, %iota3A, %eq3A_634 : vector<16xi32>
      tpu.vector_store_idx %arg5[%shift_right_logical3A_614, %and3A_617], %get3A_611 masked %eq3A_635 : memref<256x256xf32, #tpu.memory_space<vmem>>[vector<16xi32>, vector<16xi32>], vector<16xf32>, vector<16xi1>
      %eq3A_636 = arith.constant 6 : i32
      %eq3A_637 = vector.broadcast %eq3A_636 : i32 to vector<16xi32>
      %eq3A_638 = arith.cmpi eq, %iota3A, %eq3A_637 : vector<16xi32>
      tpu.vector_store_idx %arg5[%shift_right_logical3A_614, %and3A_617], %get3A_611 masked %eq3A_638 : memref<256x256xf32, #tpu.memory_space<vmem>>[vector<16xi32>, vector<16xi32>], vector<16xf32>, vector<16xi1>
      %eq3A_639 = arith.constant 7 : i32
      %eq3A_640 = vector.broadcast %eq3A_639 : i32 to vector<16xi32>
      %eq3A_641 = arith.cmpi eq, %iota3A, %eq3A_640 : vector<16xi32>
      tpu.vector_store_idx %arg5[%shift_right_logical3A_614, %and3A_617], %get3A_611 masked %eq3A_641 : memref<256x256xf32, #tpu.memory_space<vmem>>[vector<16xi32>, vector<16xi32>], vector<16xf32>, vector<16xi1>
      %eq3A_642 = arith.constant 8 : i32
      %eq3A_643 = vector.broadcast %eq3A_642 : i32 to vector<16xi32>
      %eq3A_644 = arith.cmpi eq, %iota3A, %eq3A_643 : vector<16xi32>
      tpu.vector_store_idx %arg5[%shift_right_logical3A_614, %and3A_617], %get3A_611 masked %eq3A_644 : memref<256x256xf32, #tpu.memory_space<vmem>>[vector<16xi32>, vector<16xi32>], vector<16xf32>, vector<16xi1>
      %eq3A_645 = arith.constant 9 : i32
      %eq3A_646 = vector.broadcast %eq3A_645 : i32 to vector<16xi32>
      %eq3A_647 = arith.cmpi eq, %iota3A, %eq3A_646 : vector<16xi32>
      tpu.vector_store_idx %arg5[%shift_right_logical3A_614, %and3A_617], %get3A_611 masked %eq3A_647 : memref<256x256xf32, #tpu.memory_space<vmem>>[vector<16xi32>, vector<16xi32>], vector<16xf32>, vector<16xi1>
      %eq3A_648 = arith.constant 10 : i32
      %eq3A_649 = vector.broadcast %eq3A_648 : i32 to vector<16xi32>
      %eq3A_650 = arith.cmpi eq, %iota3A, %eq3A_649 : vector<16xi32>
      tpu.vector_store_idx %arg5[%shift_right_logical3A_614, %and3A_617], %get3A_611 masked %eq3A_650 : memref<256x256xf32, #tpu.memory_space<vmem>>[vector<16xi32>, vector<16xi32>], vector<16xf32>, vector<16xi1>
      %eq3A_651 = arith.constant 11 : i32
      %eq3A_652 = vector.broadcast %eq3A_651 : i32 to vector<16xi32>
      %eq3A_653 = arith.cmpi eq, %iota3A, %eq3A_652 : vector<16xi32>
      tpu.vector_store_idx %arg5[%shift_right_logical3A_614, %and3A_617], %get3A_611 masked %eq3A_653 : memref<256x256xf32, #tpu.memory_space<vmem>>[vector<16xi32>, vector<16xi32>], vector<16xf32>, vector<16xi1>
      %eq3A_654 = arith.constant 12 : i32
      %eq3A_655 = vector.broadcast %eq3A_654 : i32 to vector<16xi32>
      %eq3A_656 = arith.cmpi eq, %iota3A, %eq3A_655 : vector<16xi32>
      tpu.vector_store_idx %arg5[%shift_right_logical3A_614, %and3A_617], %get3A_611 masked %eq3A_656 : memref<256x256xf32, #tpu.memory_space<vmem>>[vector<16xi32>, vector<16xi32>], vector<16xf32>, vector<16xi1>
      %eq3A_657 = arith.constant 13 : i32
      %eq3A_658 = vector.broadcast %eq3A_657 : i32 to vector<16xi32>
      %eq3A_659 = arith.cmpi eq, %iota3A, %eq3A_658 : vector<16xi32>
      tpu.vector_store_idx %arg5[%shift_right_logical3A_614, %and3A_617], %get3A_611 masked %eq3A_659 : memref<256x256xf32, #tpu.memory_space<vmem>>[vector<16xi32>, vector<16xi32>], vector<16xf32>, vector<16xi1>
      %eq3A_660 = arith.constant 14 : i32
      %eq3A_661 = vector.broadcast %eq3A_660 : i32 to vector<16xi32>
      %eq3A_662 = arith.cmpi eq, %iota3A, %eq3A_661 : vector<16xi32>
      tpu.vector_store_idx %arg5[%shift_right_logical3A_614, %and3A_617], %get3A_611 masked %eq3A_662 : memref<256x256xf32, #tpu.memory_space<vmem>>[vector<16xi32>, vector<16xi32>], vector<16xf32>, vector<16xi1>
      %eq3A_663 = arith.constant 15 : i32
      %eq3A_664 = vector.broadcast %eq3A_663 : i32 to vector<16xi32>
      %eq3A_665 = arith.cmpi eq, %iota3A, %eq3A_664 : vector<16xi32>
      tpu.vector_store_idx %arg5[%shift_right_logical3A_614, %and3A_617], %get3A_611 masked %eq3A_665 : memref<256x256xf32, #tpu.memory_space<vmem>>[vector<16xi32>, vector<16xi32>], vector<16xf32>, vector<16xi1>
      %mul3A_666 = arith.constant 200 : i32
      %mul3A_667 = arith.muli %scan3A_19, %mul3A_666 : i32
      %add3A_668 = arith.constant 160 : i32
      %add3A_669 = arith.addi %mul3A_667, %add3A_668 : i32
      %get3A_670 = arith.index_cast %add3A_669 : i32 to index
      %get3A_671 = tpu.vector_load %arg7[%get3A_670] {strides = array<i32>} : memref<1600xi32, #tpu.memory_space<vmem>>, vector<16xi32>,
      %and3A_672 = arith.constant 131071 : i32
      %and3A_673 = vector.broadcast %and3A_672 : i32 to vector<16xi32>
      %and3A_674 = arith.andi %get3A_671, %and3A_673 : vector<16xi32>
      %get3A_675 = arith.index_cast %add3A_669 : i32 to index
      %get3A_676 = tpu.vector_load %arg6[%get3A_675] {strides = array<i32>} : memref<1600xf32, #tpu.memory_space<vmem>>, vector<16xf32>,
      %shift_right_logical3A_677 = arith.constant 8 : i32
      %shift_right_logical3A_678 = vector.broadcast %shift_right_logical3A_677 : i32 to vector<16xi32>
      %shift_right_logical3A_679 = arith.shrui %and3A_674, %shift_right_logical3A_678 : vector<16xi32>
      %and3A_680 = arith.constant 255 : i32
      %and3A_681 = vector.broadcast %and3A_680 : i32 to vector<16xi32>
      %and3A_682 = arith.andi %and3A_674, %and3A_681 : vector<16xi32>
      %eq3A_683 = arith.constant 0 : i32
      %eq3A_684 = vector.broadcast %eq3A_683 : i32 to vector<16xi32>
      %eq3A_685 = arith.cmpi eq, %iota3A, %eq3A_684 : vector<16xi32>
      tpu.vector_store_idx %arg5[%shift_right_logical3A_679, %and3A_682], %get3A_676 masked %eq3A_685 : memref<256x256xf32, #tpu.memory_space<vmem>>[vector<16xi32>, vector<16xi32>], vector<16xf32>, vector<16xi1>
      %eq3A_686 = arith.constant 1 : i32
      %eq3A_687 = vector.broadcast %eq3A_686 : i32 to vector<16xi32>
      %eq3A_688 = arith.cmpi eq, %iota3A, %eq3A_687 : vector<16xi32>
      tpu.vector_store_idx %arg5[%shift_right_logical3A_679, %and3A_682], %get3A_676 masked %eq3A_688 : memref<256x256xf32, #tpu.memory_space<vmem>>[vector<16xi32>, vector<16xi32>], vector<16xf32>, vector<16xi1>
      %eq3A_689 = arith.constant 2 : i32
      %eq3A_690 = vector.broadcast %eq3A_689 : i32 to vector<16xi32>
      %eq3A_691 = arith.cmpi eq, %iota3A, %eq3A_690 : vector<16xi32>
      tpu.vector_store_idx %arg5[%shift_right_logical3A_679, %and3A_682], %get3A_676 masked %eq3A_691 : memref<256x256xf32, #tpu.memory_space<vmem>>[vector<16xi32>, vector<16xi32>], vector<16xf32>, vector<16xi1>
      %eq3A_692 = arith.constant 3 : i32
      %eq3A_693 = vector.broadcast %eq3A_692 : i32 to vector<16xi32>
      %eq3A_694 = arith.cmpi eq, %iota3A, %eq3A_693 : vector<16xi32>
      tpu.vector_store_idx %arg5[%shift_right_logical3A_679, %and3A_682], %get3A_676 masked %eq3A_694 : memref<256x256xf32, #tpu.memory_space<vmem>>[vector<16xi32>, vector<16xi32>], vector<16xf32>, vector<16xi1>
      %eq3A_695 = arith.constant 4 : i32
      %eq3A_696 = vector.broadcast %eq3A_695 : i32 to vector<16xi32>
      %eq3A_697 = arith.cmpi eq, %iota3A, %eq3A_696 : vector<16xi32>
      tpu.vector_store_idx %arg5[%shift_right_logical3A_679, %and3A_682], %get3A_676 masked %eq3A_697 : memref<256x256xf32, #tpu.memory_space<vmem>>[vector<16xi32>, vector<16xi32>], vector<16xf32>, vector<16xi1>
      %eq3A_698 = arith.constant 5 : i32
      %eq3A_699 = vector.broadcast %eq3A_698 : i32 to vector<16xi32>
      %eq3A_700 = arith.cmpi eq, %iota3A, %eq3A_699 : vector<16xi32>
      tpu.vector_store_idx %arg5[%shift_right_logical3A_679, %and3A_682], %get3A_676 masked %eq3A_700 : memref<256x256xf32, #tpu.memory_space<vmem>>[vector<16xi32>, vector<16xi32>], vector<16xf32>, vector<16xi1>
      %eq3A_701 = arith.constant 6 : i32
      %eq3A_702 = vector.broadcast %eq3A_701 : i32 to vector<16xi32>
      %eq3A_703 = arith.cmpi eq, %iota3A, %eq3A_702 : vector<16xi32>
      tpu.vector_store_idx %arg5[%shift_right_logical3A_679, %and3A_682], %get3A_676 masked %eq3A_703 : memref<256x256xf32, #tpu.memory_space<vmem>>[vector<16xi32>, vector<16xi32>], vector<16xf32>, vector<16xi1>
      %eq3A_704 = arith.constant 7 : i32
      %eq3A_705 = vector.broadcast %eq3A_704 : i32 to vector<16xi32>
      %eq3A_706 = arith.cmpi eq, %iota3A, %eq3A_705 : vector<16xi32>
      tpu.vector_store_idx %arg5[%shift_right_logical3A_679, %and3A_682], %get3A_676 masked %eq3A_706 : memref<256x256xf32, #tpu.memory_space<vmem>>[vector<16xi32>, vector<16xi32>], vector<16xf32>, vector<16xi1>
      %eq3A_707 = arith.constant 8 : i32
      %eq3A_708 = vector.broadcast %eq3A_707 : i32 to vector<16xi32>
      %eq3A_709 = arith.cmpi eq, %iota3A, %eq3A_708 : vector<16xi32>
      tpu.vector_store_idx %arg5[%shift_right_logical3A_679, %and3A_682], %get3A_676 masked %eq3A_709 : memref<256x256xf32, #tpu.memory_space<vmem>>[vector<16xi32>, vector<16xi32>], vector<16xf32>, vector<16xi1>
      %eq3A_710 = arith.constant 9 : i32
      %eq3A_711 = vector.broadcast %eq3A_710 : i32 to vector<16xi32>
      %eq3A_712 = arith.cmpi eq, %iota3A, %eq3A_711 : vector<16xi32>
      tpu.vector_store_idx %arg5[%shift_right_logical3A_679, %and3A_682], %get3A_676 masked %eq3A_712 : memref<256x256xf32, #tpu.memory_space<vmem>>[vector<16xi32>, vector<16xi32>], vector<16xf32>, vector<16xi1>
      %eq3A_713 = arith.constant 10 : i32
      %eq3A_714 = vector.broadcast %eq3A_713 : i32 to vector<16xi32>
      %eq3A_715 = arith.cmpi eq, %iota3A, %eq3A_714 : vector<16xi32>
      tpu.vector_store_idx %arg5[%shift_right_logical3A_679, %and3A_682], %get3A_676 masked %eq3A_715 : memref<256x256xf32, #tpu.memory_space<vmem>>[vector<16xi32>, vector<16xi32>], vector<16xf32>, vector<16xi1>
      %eq3A_716 = arith.constant 11 : i32
      %eq3A_717 = vector.broadcast %eq3A_716 : i32 to vector<16xi32>
      %eq3A_718 = arith.cmpi eq, %iota3A, %eq3A_717 : vector<16xi32>
      tpu.vector_store_idx %arg5[%shift_right_logical3A_679, %and3A_682], %get3A_676 masked %eq3A_718 : memref<256x256xf32, #tpu.memory_space<vmem>>[vector<16xi32>, vector<16xi32>], vector<16xf32>, vector<16xi1>
      %eq3A_719 = arith.constant 12 : i32
      %eq3A_720 = vector.broadcast %eq3A_719 : i32 to vector<16xi32>
      %eq3A_721 = arith.cmpi eq, %iota3A, %eq3A_720 : vector<16xi32>
      tpu.vector_store_idx %arg5[%shift_right_logical3A_679, %and3A_682], %get3A_676 masked %eq3A_721 : memref<256x256xf32, #tpu.memory_space<vmem>>[vector<16xi32>, vector<16xi32>], vector<16xf32>, vector<16xi1>
      %eq3A_722 = arith.constant 13 : i32
      %eq3A_723 = vector.broadcast %eq3A_722 : i32 to vector<16xi32>
      %eq3A_724 = arith.cmpi eq, %iota3A, %eq3A_723 : vector<16xi32>
      tpu.vector_store_idx %arg5[%shift_right_logical3A_679, %and3A_682], %get3A_676 masked %eq3A_724 : memref<256x256xf32, #tpu.memory_space<vmem>>[vector<16xi32>, vector<16xi32>], vector<16xf32>, vector<16xi1>
      %eq3A_725 = arith.constant 14 : i32
      %eq3A_726 = vector.broadcast %eq3A_725 : i32 to vector<16xi32>
      %eq3A_727 = arith.cmpi eq, %iota3A, %eq3A_726 : vector<16xi32>
      tpu.vector_store_idx %arg5[%shift_right_logical3A_679, %and3A_682], %get3A_676 masked %eq3A_727 : memref<256x256xf32, #tpu.memory_space<vmem>>[vector<16xi32>, vector<16xi32>], vector<16xf32>, vector<16xi1>
      %eq3A_728 = arith.constant 15 : i32
      %eq3A_729 = vector.broadcast %eq3A_728 : i32 to vector<16xi32>
      %eq3A_730 = arith.cmpi eq, %iota3A, %eq3A_729 : vector<16xi32>
      tpu.vector_store_idx %arg5[%shift_right_logical3A_679, %and3A_682], %get3A_676 masked %eq3A_730 : memref<256x256xf32, #tpu.memory_space<vmem>>[vector<16xi32>, vector<16xi32>], vector<16xf32>, vector<16xi1>
      %mul3A_731 = arith.constant 200 : i32
      %mul3A_732 = arith.muli %scan3A_19, %mul3A_731 : i32
      %add3A_733 = arith.constant 176 : i32
      %add3A_734 = arith.addi %mul3A_732, %add3A_733 : i32
      %get3A_735 = arith.index_cast %add3A_734 : i32 to index
      %get3A_736 = tpu.vector_load %arg7[%get3A_735] {strides = array<i32>} : memref<1600xi32, #tpu.memory_space<vmem>>, vector<16xi32>,
      %and3A_737 = arith.constant 131071 : i32
      %and3A_738 = vector.broadcast %and3A_737 : i32 to vector<16xi32>
      %and3A_739 = arith.andi %get3A_736, %and3A_738 : vector<16xi32>
      %get3A_740 = arith.index_cast %add3A_734 : i32 to index
      %get3A_741 = tpu.vector_load %arg6[%get3A_740] {strides = array<i32>} : memref<1600xf32, #tpu.memory_space<vmem>>, vector<16xf32>,
      %shift_right_logical3A_742 = arith.constant 8 : i32
      %shift_right_logical3A_743 = vector.broadcast %shift_right_logical3A_742 : i32 to vector<16xi32>
      %shift_right_logical3A_744 = arith.shrui %and3A_739, %shift_right_logical3A_743 : vector<16xi32>
      %and3A_745 = arith.constant 255 : i32
      %and3A_746 = vector.broadcast %and3A_745 : i32 to vector<16xi32>
      %and3A_747 = arith.andi %and3A_739, %and3A_746 : vector<16xi32>
      %eq3A_748 = arith.constant 0 : i32
      %eq3A_749 = vector.broadcast %eq3A_748 : i32 to vector<16xi32>
      %eq3A_750 = arith.cmpi eq, %iota3A, %eq3A_749 : vector<16xi32>
      tpu.vector_store_idx %arg5[%shift_right_logical3A_744, %and3A_747], %get3A_741 masked %eq3A_750 : memref<256x256xf32, #tpu.memory_space<vmem>>[vector<16xi32>, vector<16xi32>], vector<16xf32>, vector<16xi1>
      %eq3A_751 = arith.constant 1 : i32
      %eq3A_752 = vector.broadcast %eq3A_751 : i32 to vector<16xi32>
      %eq3A_753 = arith.cmpi eq, %iota3A, %eq3A_752 : vector<16xi32>
      tpu.vector_store_idx %arg5[%shift_right_logical3A_744, %and3A_747], %get3A_741 masked %eq3A_753 : memref<256x256xf32, #tpu.memory_space<vmem>>[vector<16xi32>, vector<16xi32>], vector<16xf32>, vector<16xi1>
      %eq3A_754 = arith.constant 2 : i32
      %eq3A_755 = vector.broadcast %eq3A_754 : i32 to vector<16xi32>
      %eq3A_756 = arith.cmpi eq, %iota3A, %eq3A_755 : vector<16xi32>
      tpu.vector_store_idx %arg5[%shift_right_logical3A_744, %and3A_747], %get3A_741 masked %eq3A_756 : memref<256x256xf32, #tpu.memory_space<vmem>>[vector<16xi32>, vector<16xi32>], vector<16xf32>, vector<16xi1>
      %eq3A_757 = arith.constant 3 : i32
      %eq3A_758 = vector.broadcast %eq3A_757 : i32 to vector<16xi32>
      %eq3A_759 = arith.cmpi eq, %iota3A, %eq3A_758 : vector<16xi32>
      tpu.vector_store_idx %arg5[%shift_right_logical3A_744, %and3A_747], %get3A_741 masked %eq3A_759 : memref<256x256xf32, #tpu.memory_space<vmem>>[vector<16xi32>, vector<16xi32>], vector<16xf32>, vector<16xi1>
      %eq3A_760 = arith.constant 4 : i32
      %eq3A_761 = vector.broadcast %eq3A_760 : i32 to vector<16xi32>
      %eq3A_762 = arith.cmpi eq, %iota3A, %eq3A_761 : vector<16xi32>
      tpu.vector_store_idx %arg5[%shift_right_logical3A_744, %and3A_747], %get3A_741 masked %eq3A_762 : memref<256x256xf32, #tpu.memory_space<vmem>>[vector<16xi32>, vector<16xi32>], vector<16xf32>, vector<16xi1>
      %eq3A_763 = arith.constant 5 : i32
      %eq3A_764 = vector.broadcast %eq3A_763 : i32 to vector<16xi32>
      %eq3A_765 = arith.cmpi eq, %iota3A, %eq3A_764 : vector<16xi32>
      tpu.vector_store_idx %arg5[%shift_right_logical3A_744, %and3A_747], %get3A_741 masked %eq3A_765 : memref<256x256xf32, #tpu.memory_space<vmem>>[vector<16xi32>, vector<16xi32>], vector<16xf32>, vector<16xi1>
      %eq3A_766 = arith.constant 6 : i32
      %eq3A_767 = vector.broadcast %eq3A_766 : i32 to vector<16xi32>
      %eq3A_768 = arith.cmpi eq, %iota3A, %eq3A_767 : vector<16xi32>
      tpu.vector_store_idx %arg5[%shift_right_logical3A_744, %and3A_747], %get3A_741 masked %eq3A_768 : memref<256x256xf32, #tpu.memory_space<vmem>>[vector<16xi32>, vector<16xi32>], vector<16xf32>, vector<16xi1>
      %eq3A_769 = arith.constant 7 : i32
      %eq3A_770 = vector.broadcast %eq3A_769 : i32 to vector<16xi32>
      %eq3A_771 = arith.cmpi eq, %iota3A, %eq3A_770 : vector<16xi32>
      tpu.vector_store_idx %arg5[%shift_right_logical3A_744, %and3A_747], %get3A_741 masked %eq3A_771 : memref<256x256xf32, #tpu.memory_space<vmem>>[vector<16xi32>, vector<16xi32>], vector<16xf32>, vector<16xi1>
      %eq3A_772 = arith.constant 8 : i32
      %eq3A_773 = vector.broadcast %eq3A_772 : i32 to vector<16xi32>
      %eq3A_774 = arith.cmpi eq, %iota3A, %eq3A_773 : vector<16xi32>
      tpu.vector_store_idx %arg5[%shift_right_logical3A_744, %and3A_747], %get3A_741 masked %eq3A_774 : memref<256x256xf32, #tpu.memory_space<vmem>>[vector<16xi32>, vector<16xi32>], vector<16xf32>, vector<16xi1>
      %eq3A_775 = arith.constant 9 : i32
      %eq3A_776 = vector.broadcast %eq3A_775 : i32 to vector<16xi32>
      %eq3A_777 = arith.cmpi eq, %iota3A, %eq3A_776 : vector<16xi32>
      tpu.vector_store_idx %arg5[%shift_right_logical3A_744, %and3A_747], %get3A_741 masked %eq3A_777 : memref<256x256xf32, #tpu.memory_space<vmem>>[vector<16xi32>, vector<16xi32>], vector<16xf32>, vector<16xi1>
      %eq3A_778 = arith.constant 10 : i32
      %eq3A_779 = vector.broadcast %eq3A_778 : i32 to vector<16xi32>
      %eq3A_780 = arith.cmpi eq, %iota3A, %eq3A_779 : vector<16xi32>
      tpu.vector_store_idx %arg5[%shift_right_logical3A_744, %and3A_747], %get3A_741 masked %eq3A_780 : memref<256x256xf32, #tpu.memory_space<vmem>>[vector<16xi32>, vector<16xi32>], vector<16xf32>, vector<16xi1>
      %eq3A_781 = arith.constant 11 : i32
      %eq3A_782 = vector.broadcast %eq3A_781 : i32 to vector<16xi32>
      %eq3A_783 = arith.cmpi eq, %iota3A, %eq3A_782 : vector<16xi32>
      tpu.vector_store_idx %arg5[%shift_right_logical3A_744, %and3A_747], %get3A_741 masked %eq3A_783 : memref<256x256xf32, #tpu.memory_space<vmem>>[vector<16xi32>, vector<16xi32>], vector<16xf32>, vector<16xi1>
      %eq3A_784 = arith.constant 12 : i32
      %eq3A_785 = vector.broadcast %eq3A_784 : i32 to vector<16xi32>
      %eq3A_786 = arith.cmpi eq, %iota3A, %eq3A_785 : vector<16xi32>
      tpu.vector_store_idx %arg5[%shift_right_logical3A_744, %and3A_747], %get3A_741 masked %eq3A_786 : memref<256x256xf32, #tpu.memory_space<vmem>>[vector<16xi32>, vector<16xi32>], vector<16xf32>, vector<16xi1>
      %eq3A_787 = arith.constant 13 : i32
      %eq3A_788 = vector.broadcast %eq3A_787 : i32 to vector<16xi32>
      %eq3A_789 = arith.cmpi eq, %iota3A, %eq3A_788 : vector<16xi32>
      tpu.vector_store_idx %arg5[%shift_right_logical3A_744, %and3A_747], %get3A_741 masked %eq3A_789 : memref<256x256xf32, #tpu.memory_space<vmem>>[vector<16xi32>, vector<16xi32>], vector<16xf32>, vector<16xi1>
      %eq3A_790 = arith.constant 14 : i32
      %eq3A_791 = vector.broadcast %eq3A_790 : i32 to vector<16xi32>
      %eq3A_792 = arith.cmpi eq, %iota3A, %eq3A_791 : vector<16xi32>
      tpu.vector_store_idx %arg5[%shift_right_logical3A_744, %and3A_747], %get3A_741 masked %eq3A_792 : memref<256x256xf32, #tpu.memory_space<vmem>>[vector<16xi32>, vector<16xi32>], vector<16xf32>, vector<16xi1>
      %eq3A_793 = arith.constant 15 : i32
      %eq3A_794 = vector.broadcast %eq3A_793 : i32 to vector<16xi32>
      %eq3A_795 = arith.cmpi eq, %iota3A, %eq3A_794 : vector<16xi32>
      tpu.vector_store_idx %arg5[%shift_right_logical3A_744, %and3A_747], %get3A_741 masked %eq3A_795 : memref<256x256xf32, #tpu.memory_space<vmem>>[vector<16xi32>, vector<16xi32>], vector<16xf32>, vector<16xi1>
      %mul3A_796 = arith.constant 200 : i32
      %mul3A_797 = arith.muli %scan3A_19, %mul3A_796 : i32
      %add3A_798 = arith.constant 192 : i32
      %add3A_799 = arith.addi %mul3A_797, %add3A_798 : i32
      %mul3A_800 = arith.constant 200 : i32
      %mul3A_801 = arith.muli %scan3A_19, %mul3A_800 : i32
      %add3A_802 = arith.constant 200 : i32
      %add3A_803 = arith.addi %mul3A_801, %add3A_802 : i32
      %sub3A = arith.constant 16 : i32
      %sub3A_804 = arith.subi %add3A_803, %sub3A : i32
      %get3A_805 = arith.index_cast %sub3A_804 : i32 to index
      %get3A_806 = tpu.vector_load %arg7[%get3A_805] {strides = array<i32>} : memref<1600xi32, #tpu.memory_space<vmem>>, vector<16xi32>,
      %and3A_807 = arith.constant 131071 : i32
      %and3A_808 = vector.broadcast %and3A_807 : i32 to vector<16xi32>
      %and3A_809 = arith.andi %get3A_806, %and3A_808 : vector<16xi32>
      %get3A_810 = arith.index_cast %sub3A_804 : i32 to index
      %get3A_811 = tpu.vector_load %arg6[%get3A_810] {strides = array<i32>} : memref<1600xf32, #tpu.memory_space<vmem>>, vector<16xf32>,
      %shift_right_logical3A_812 = arith.constant 8 : i32
      %shift_right_logical3A_813 = vector.broadcast %shift_right_logical3A_812 : i32 to vector<16xi32>
      %shift_right_logical3A_814 = arith.shrui %and3A_809, %shift_right_logical3A_813 : vector<16xi32>
      %and3A_815 = arith.constant 255 : i32
      %and3A_816 = vector.broadcast %and3A_815 : i32 to vector<16xi32>
      %and3A_817 = arith.andi %and3A_809, %and3A_816 : vector<16xi32>
      %eq3A_818 = arith.constant 8 : i32
      %eq3A_819 = vector.broadcast %eq3A_818 : i32 to vector<16xi32>
      %eq3A_820 = arith.cmpi eq, %iota3A, %eq3A_819 : vector<16xi32>
      tpu.vector_store_idx %arg5[%shift_right_logical3A_814, %and3A_817], %get3A_811 masked %eq3A_820 : memref<256x256xf32, #tpu.memory_space<vmem>>[vector<16xi32>, vector<16xi32>], vector<16xf32>, vector<16xi1>
      %eq3A_821 = arith.constant 9 : i32
      %eq3A_822 = vector.broadcast %eq3A_821 : i32 to vector<16xi32>
      %eq3A_823 = arith.cmpi eq, %iota3A, %eq3A_822 : vector<16xi32>
      tpu.vector_store_idx %arg5[%shift_right_logical3A_814, %and3A_817], %get3A_811 masked %eq3A_823 : memref<256x256xf32, #tpu.memory_space<vmem>>[vector<16xi32>, vector<16xi32>], vector<16xf32>, vector<16xi1>
      %eq3A_824 = arith.constant 10 : i32
      %eq3A_825 = vector.broadcast %eq3A_824 : i32 to vector<16xi32>
      %eq3A_826 = arith.cmpi eq, %iota3A, %eq3A_825 : vector<16xi32>
      tpu.vector_store_idx %arg5[%shift_right_logical3A_814, %and3A_817], %get3A_811 masked %eq3A_826 : memref<256x256xf32, #tpu.memory_space<vmem>>[vector<16xi32>, vector<16xi32>], vector<16xf32>, vector<16xi1>
      %eq3A_827 = arith.constant 11 : i32
      %eq3A_828 = vector.broadcast %eq3A_827 : i32 to vector<16xi32>
      %eq3A_829 = arith.cmpi eq, %iota3A, %eq3A_828 : vector<16xi32>
      tpu.vector_store_idx %arg5[%shift_right_logical3A_814, %and3A_817], %get3A_811 masked %eq3A_829 : memref<256x256xf32, #tpu.memory_space<vmem>>[vector<16xi32>, vector<16xi32>], vector<16xf32>, vector<16xi1>
      %eq3A_830 = arith.constant 12 : i32
      %eq3A_831 = vector.broadcast %eq3A_830 : i32 to vector<16xi32>
      %eq3A_832 = arith.cmpi eq, %iota3A, %eq3A_831 : vector<16xi32>
      tpu.vector_store_idx %arg5[%shift_right_logical3A_814, %and3A_817], %get3A_811 masked %eq3A_832 : memref<256x256xf32, #tpu.memory_space<vmem>>[vector<16xi32>, vector<16xi32>], vector<16xf32>, vector<16xi1>
      %eq3A_833 = arith.constant 13 : i32
      %eq3A_834 = vector.broadcast %eq3A_833 : i32 to vector<16xi32>
      %eq3A_835 = arith.cmpi eq, %iota3A, %eq3A_834 : vector<16xi32>
      tpu.vector_store_idx %arg5[%shift_right_logical3A_814, %and3A_817], %get3A_811 masked %eq3A_835 : memref<256x256xf32, #tpu.memory_space<vmem>>[vector<16xi32>, vector<16xi32>], vector<16xf32>, vector<16xi1>
      %eq3A_836 = arith.constant 14 : i32
      %eq3A_837 = vector.broadcast %eq3A_836 : i32 to vector<16xi32>
      %eq3A_838 = arith.cmpi eq, %iota3A, %eq3A_837 : vector<16xi32>
      tpu.vector_store_idx %arg5[%shift_right_logical3A_814, %and3A_817], %get3A_811 masked %eq3A_838 : memref<256x256xf32, #tpu.memory_space<vmem>>[vector<16xi32>, vector<16xi32>], vector<16xf32>, vector<16xi1>
      %eq3A_839 = arith.constant 15 : i32
      %eq3A_840 = vector.broadcast %eq3A_839 : i32 to vector<16xi32>
      %eq3A_841 = arith.cmpi eq, %iota3A, %eq3A_840 : vector<16xi32>
      tpu.vector_store_idx %arg5[%shift_right_logical3A_814, %and3A_817], %get3A_811 masked %eq3A_841 : memref<256x256xf32, #tpu.memory_space<vmem>>[vector<16xi32>, vector<16xi32>], vector<16xf32>, vector<16xi1>
      %add3A_842 = arith.addi %mul3A_2, %scan3A_19 : i32
      %mul3A_843 = arith.constant 2 : i32
      %mul3A_844 = arith.muli %add3A_842, %mul3A_843 : i32
      %dma_start3A = arith.constant 0 : i32
      %dma_start3A_845 = arith.constant 0 : i32
      %dma_start3A_846 = tpu.memref_slice %arg4[%mul3A_844, %dma_start3A, %dma_start3A_845] : memref<512x256x256xf32, #tpu.memory_space<hbm>> -> memref<1x256x256xf32, #tpu.memory_space<hbm>>
      %dma_start3A_847 = tpu.memref_squeeze %dma_start3A_846 : memref<1x256x256xf32, #tpu.memory_space<hbm>> -> memref<256x256xf32, #tpu.memory_space<hbm>>
      %dma_start3A_848 = arith.constant 0 : i32
      %dma_start3A_849 = arith.constant 0 : i32
      %dma_start3A_850 = tpu.memref_slice %arg4[%mul3A_844, %dma_start3A_848, %dma_start3A_849] : memref<512x256x256xf32, #tpu.memory_space<hbm>> -> memref<1x256x256xf32, #tpu.memory_space<hbm>>
      %dma_start3A_851 = tpu.memref_squeeze %dma_start3A_850 : memref<1x256x256xf32, #tpu.memory_space<hbm>> -> memref<256x256xf32, #tpu.memory_space<hbm>>
      tpu.enqueue_dma source(%arg5 : memref<256x256xf32, #tpu.memory_space<vmem>>) target(%dma_start3A_851 : memref<256x256xf32, #tpu.memory_space<hbm>>) target_semaphore(%arg8 : memref<!tpu.dma_semaphore, #tpu.memory_space<semaphore_mem>>)
      %add3A_852 = arith.constant 1 : i32
      %add3A_853 = arith.addi %mul3A_844, %add3A_852 : i32
      %dma_start3A_854 = arith.constant 0 : i32
      %dma_start3A_855 = arith.constant 0 : i32
      %dma_start3A_856 = tpu.memref_slice %arg4[%add3A_853, %dma_start3A_854, %dma_start3A_855] : memref<512x256x256xf32, #tpu.memory_space<hbm>> -> memref<1x256x256xf32, #tpu.memory_space<hbm>>
      %dma_start3A_857 = tpu.memref_squeeze %dma_start3A_856 : memref<1x256x256xf32, #tpu.memory_space<hbm>> -> memref<256x256xf32, #tpu.memory_space<hbm>>
      %dma_start3A_858 = arith.constant 0 : i32
      %dma_start3A_859 = arith.constant 0 : i32
      %dma_start3A_860 = tpu.memref_slice %arg4[%add3A_853, %dma_start3A_858, %dma_start3A_859] : memref<512x256x256xf32, #tpu.memory_space<hbm>> -> memref<1x256x256xf32, #tpu.memory_space<hbm>>
      %dma_start3A_861 = tpu.memref_squeeze %dma_start3A_860 : memref<1x256x256xf32, #tpu.memory_space<hbm>> -> memref<256x256xf32, #tpu.memory_space<hbm>>
      tpu.enqueue_dma source(%arg5 : memref<256x256xf32, #tpu.memory_space<vmem>>) target(%dma_start3A_861 : memref<256x256xf32, #tpu.memory_space<hbm>>) target_semaphore(%arg8 : memref<!tpu.dma_semaphore, #tpu.memory_space<semaphore_mem>>)
      %dma_wait3A = arith.constant 0 : i32
      %dma_wait3A_862 = arith.constant 0 : i32
      %dma_wait3A_863 = tpu.memref_slice %arg4[%mul3A_844, %dma_wait3A, %dma_wait3A_862] : memref<512x256x256xf32, #tpu.memory_space<hbm>> -> memref<1x256x256xf32, #tpu.memory_space<hbm>>
      %dma_wait3A_864 = tpu.memref_squeeze %dma_wait3A_863 : memref<1x256x256xf32, #tpu.memory_space<hbm>> -> memref<256x256xf32, #tpu.memory_space<hbm>>
      %dma_wait3A_865 = arith.constant 0 : i32
      %dma_wait3A_866 = arith.constant 0 : i32
      %dma_wait3A_867 = tpu.memref_slice %arg4[%mul3A_844, %dma_wait3A_865, %dma_wait3A_866] : memref<512x256x256xf32, #tpu.memory_space<hbm>> -> memref<1x256x256xf32, #tpu.memory_space<hbm>>
      %dma_wait3A_868 = tpu.memref_squeeze %dma_wait3A_867 : memref<1x256x256xf32, #tpu.memory_space<hbm>> -> memref<256x256xf32, #tpu.memory_space<hbm>>
      tpu.wait_dma2 semaphore(%arg8 : memref<!tpu.dma_semaphore, #tpu.memory_space<semaphore_mem>>) src(%arg5 : memref<256x256xf32, #tpu.memory_space<vmem>>) dst(%dma_wait3A_868 : memref<256x256xf32, #tpu.memory_space<hbm>>)
      %dma_wait3A_869 = arith.constant 0 : i32
      %dma_wait3A_870 = arith.constant 0 : i32
      %dma_wait3A_871 = tpu.memref_slice %arg4[%add3A_853, %dma_wait3A_869, %dma_wait3A_870] : memref<512x256x256xf32, #tpu.memory_space<hbm>> -> memref<1x256x256xf32, #tpu.memory_space<hbm>>
      %dma_wait3A_872 = tpu.memref_squeeze %dma_wait3A_871 : memref<1x256x256xf32, #tpu.memory_space<hbm>> -> memref<256x256xf32, #tpu.memory_space<hbm>>
      %dma_wait3A_873 = arith.constant 0 : i32
      %dma_wait3A_874 = arith.constant 0 : i32
      %dma_wait3A_875 = tpu.memref_slice %arg4[%add3A_853, %dma_wait3A_873, %dma_wait3A_874] : memref<512x256x256xf32, #tpu.memory_space<hbm>> -> memref<1x256x256xf32, #tpu.memory_space<hbm>>
      %dma_wait3A_876 = tpu.memref_squeeze %dma_wait3A_875 : memref<1x256x256xf32, #tpu.memory_space<hbm>> -> memref<256x256xf32, #tpu.memory_space<hbm>>
      tpu.wait_dma2 semaphore(%arg8 : memref<!tpu.dma_semaphore, #tpu.memory_space<semaphore_mem>>) src(%arg5 : memref<256x256xf32, #tpu.memory_space<vmem>>) dst(%dma_wait3A_876 : memref<256x256xf32, #tpu.memory_space<hbm>>)
      %mul3A_877 = arith.constant 200 : i32
      %mul3A_878 = arith.muli %scan3A_19, %mul3A_877 : i32
      %add3A_879 = arith.constant 0 : i32
      %add3A_880 = arith.addi %mul3A_878, %add3A_879 : i32
      %get3A_881 = arith.index_cast %add3A_880 : i32 to index
      %get3A_882 = tpu.vector_load %arg7[%get3A_881] {strides = array<i32>} : memref<1600xi32, #tpu.memory_space<vmem>>, vector<16xi32>,
      %and3A_883 = arith.constant 131071 : i32
      %and3A_884 = vector.broadcast %and3A_883 : i32 to vector<16xi32>
      %and3A_885 = arith.andi %get3A_882, %and3A_884 : vector<16xi32>
      %shift_right_logical3A_886 = arith.constant 8 : i32
      %shift_right_logical3A_887 = vector.broadcast %shift_right_logical3A_886 : i32 to vector<16xi32>
      %shift_right_logical3A_888 = arith.shrui %and3A_885, %shift_right_logical3A_887 : vector<16xi32>
      %and3A_889 = arith.constant 255 : i32
      %and3A_890 = vector.broadcast %and3A_889 : i32 to vector<16xi32>
      %and3A_891 = arith.andi %and3A_885, %and3A_890 : vector<16xi32>
      tpu.vector_store_idx %arg5[%shift_right_logical3A_888, %and3A_891], %broadcast_in_dim3A_7 : memref<256x256xf32, #tpu.memory_space<vmem>>[vector<16xi32>, vector<16xi32>], vector<16xf32>,
      %mul3A_892 = arith.constant 200 : i32
      %mul3A_893 = arith.muli %scan3A_19, %mul3A_892 : i32
      %add3A_894 = arith.constant 16 : i32
      %add3A_895 = arith.addi %mul3A_893, %add3A_894 : i32
      %get3A_896 = arith.index_cast %add3A_895 : i32 to index
      %get3A_897 = tpu.vector_load %arg7[%get3A_896] {strides = array<i32>} : memref<1600xi32, #tpu.memory_space<vmem>>, vector<16xi32>,
      %and3A_898 = arith.constant 131071 : i32
      %and3A_899 = vector.broadcast %and3A_898 : i32 to vector<16xi32>
      %and3A_900 = arith.andi %get3A_897, %and3A_899 : vector<16xi32>
      %shift_right_logical3A_901 = arith.constant 8 : i32
      %shift_right_logical3A_902 = vector.broadcast %shift_right_logical3A_901 : i32 to vector<16xi32>
      %shift_right_logical3A_903 = arith.shrui %and3A_900, %shift_right_logical3A_902 : vector<16xi32>
      %and3A_904 = arith.constant 255 : i32
      %and3A_905 = vector.broadcast %and3A_904 : i32 to vector<16xi32>
      %and3A_906 = arith.andi %and3A_900, %and3A_905 : vector<16xi32>
      tpu.vector_store_idx %arg5[%shift_right_logical3A_903, %and3A_906], %broadcast_in_dim3A_7 : memref<256x256xf32, #tpu.memory_space<vmem>>[vector<16xi32>, vector<16xi32>], vector<16xf32>,
      %mul3A_907 = arith.constant 200 : i32
      %mul3A_908 = arith.muli %scan3A_19, %mul3A_907 : i32
      %add3A_909 = arith.constant 32 : i32
      %add3A_910 = arith.addi %mul3A_908, %add3A_909 : i32
      %get3A_911 = arith.index_cast %add3A_910 : i32 to index
      %get3A_912 = tpu.vector_load %arg7[%get3A_911] {strides = array<i32>} : memref<1600xi32, #tpu.memory_space<vmem>>, vector<16xi32>,
      %and3A_913 = arith.constant 131071 : i32
      %and3A_914 = vector.broadcast %and3A_913 : i32 to vector<16xi32>
      %and3A_915 = arith.andi %get3A_912, %and3A_914 : vector<16xi32>
      %shift_right_logical3A_916 = arith.constant 8 : i32
      %shift_right_logical3A_917 = vector.broadcast %shift_right_logical3A_916 : i32 to vector<16xi32>
      %shift_right_logical3A_918 = arith.shrui %and3A_915, %shift_right_logical3A_917 : vector<16xi32>
      %and3A_919 = arith.constant 255 : i32
      %and3A_920 = vector.broadcast %and3A_919 : i32 to vector<16xi32>
      %and3A_921 = arith.andi %and3A_915, %and3A_920 : vector<16xi32>
      tpu.vector_store_idx %arg5[%shift_right_logical3A_918, %and3A_921], %broadcast_in_dim3A_7 : memref<256x256xf32, #tpu.memory_space<vmem>>[vector<16xi32>, vector<16xi32>], vector<16xf32>,
      %mul3A_922 = arith.constant 200 : i32
      %mul3A_923 = arith.muli %scan3A_19, %mul3A_922 : i32
      %add3A_924 = arith.constant 48 : i32
      %add3A_925 = arith.addi %mul3A_923, %add3A_924 : i32
      %get3A_926 = arith.index_cast %add3A_925 : i32 to index
      %get3A_927 = tpu.vector_load %arg7[%get3A_926] {strides = array<i32>} : memref<1600xi32, #tpu.memory_space<vmem>>, vector<16xi32>,
      %and3A_928 = arith.constant 131071 : i32
      %and3A_929 = vector.broadcast %and3A_928 : i32 to vector<16xi32>
      %and3A_930 = arith.andi %get3A_927, %and3A_929 : vector<16xi32>
      %shift_right_logical3A_931 = arith.constant 8 : i32
      %shift_right_logical3A_932 = vector.broadcast %shift_right_logical3A_931 : i32 to vector<16xi32>
      %shift_right_logical3A_933 = arith.shrui %and3A_930, %shift_right_logical3A_932 : vector<16xi32>
      %and3A_934 = arith.constant 255 : i32
      %and3A_935 = vector.broadcast %and3A_934 : i32 to vector<16xi32>
      %and3A_936 = arith.andi %and3A_930, %and3A_935 : vector<16xi32>
      tpu.vector_store_idx %arg5[%shift_right_logical3A_933, %and3A_936], %broadcast_in_dim3A_7 : memref<256x256xf32, #tpu.memory_space<vmem>>[vector<16xi32>, vector<16xi32>], vector<16xf32>,
      %mul3A_937 = arith.constant 200 : i32
      %mul3A_938 = arith.muli %scan3A_19, %mul3A_937 : i32
      %add3A_939 = arith.constant 64 : i32
      %add3A_940 = arith.addi %mul3A_938, %add3A_939 : i32
      %get3A_941 = arith.index_cast %add3A_940 : i32 to index
      %get3A_942 = tpu.vector_load %arg7[%get3A_941] {strides = array<i32>} : memref<1600xi32, #tpu.memory_space<vmem>>, vector<16xi32>,
      %and3A_943 = arith.constant 131071 : i32
      %and3A_944 = vector.broadcast %and3A_943 : i32 to vector<16xi32>
      %and3A_945 = arith.andi %get3A_942, %and3A_944 : vector<16xi32>
      %shift_right_logical3A_946 = arith.constant 8 : i32
      %shift_right_logical3A_947 = vector.broadcast %shift_right_logical3A_946 : i32 to vector<16xi32>
      %shift_right_logical3A_948 = arith.shrui %and3A_945, %shift_right_logical3A_947 : vector<16xi32>
      %and3A_949 = arith.constant 255 : i32
      %and3A_950 = vector.broadcast %and3A_949 : i32 to vector<16xi32>
      %and3A_951 = arith.andi %and3A_945, %and3A_950 : vector<16xi32>
      tpu.vector_store_idx %arg5[%shift_right_logical3A_948, %and3A_951], %broadcast_in_dim3A_7 : memref<256x256xf32, #tpu.memory_space<vmem>>[vector<16xi32>, vector<16xi32>], vector<16xf32>,
      %mul3A_952 = arith.constant 200 : i32
      %mul3A_953 = arith.muli %scan3A_19, %mul3A_952 : i32
      %add3A_954 = arith.constant 80 : i32
      %add3A_955 = arith.addi %mul3A_953, %add3A_954 : i32
      %get3A_956 = arith.index_cast %add3A_955 : i32 to index
      %get3A_957 = tpu.vector_load %arg7[%get3A_956] {strides = array<i32>} : memref<1600xi32, #tpu.memory_space<vmem>>, vector<16xi32>,
      %and3A_958 = arith.constant 131071 : i32
      %and3A_959 = vector.broadcast %and3A_958 : i32 to vector<16xi32>
      %and3A_960 = arith.andi %get3A_957, %and3A_959 : vector<16xi32>
      %shift_right_logical3A_961 = arith.constant 8 : i32
      %shift_right_logical3A_962 = vector.broadcast %shift_right_logical3A_961 : i32 to vector<16xi32>
      %shift_right_logical3A_963 = arith.shrui %and3A_960, %shift_right_logical3A_962 : vector<16xi32>
      %and3A_964 = arith.constant 255 : i32
      %and3A_965 = vector.broadcast %and3A_964 : i32 to vector<16xi32>
      %and3A_966 = arith.andi %and3A_960, %and3A_965 : vector<16xi32>
      tpu.vector_store_idx %arg5[%shift_right_logical3A_963, %and3A_966], %broadcast_in_dim3A_7 : memref<256x256xf32, #tpu.memory_space<vmem>>[vector<16xi32>, vector<16xi32>], vector<16xf32>,
      %mul3A_967 = arith.constant 200 : i32
      %mul3A_968 = arith.muli %scan3A_19, %mul3A_967 : i32
      %add3A_969 = arith.constant 96 : i32
      %add3A_970 = arith.addi %mul3A_968, %add3A_969 : i32
      %get3A_971 = arith.index_cast %add3A_970 : i32 to index
      %get3A_972 = tpu.vector_load %arg7[%get3A_971] {strides = array<i32>} : memref<1600xi32, #tpu.memory_space<vmem>>, vector<16xi32>,
      %and3A_973 = arith.constant 131071 : i32
      %and3A_974 = vector.broadcast %and3A_973 : i32 to vector<16xi32>
      %and3A_975 = arith.andi %get3A_972, %and3A_974 : vector<16xi32>
      %shift_right_logical3A_976 = arith.constant 8 : i32
      %shift_right_logical3A_977 = vector.broadcast %shift_right_logical3A_976 : i32 to vector<16xi32>
      %shift_right_logical3A_978 = arith.shrui %and3A_975, %shift_right_logical3A_977 : vector<16xi32>
      %and3A_979 = arith.constant 255 : i32
      %and3A_980 = vector.broadcast %and3A_979 : i32 to vector<16xi32>
      %and3A_981 = arith.andi %and3A_975, %and3A_980 : vector<16xi32>
      tpu.vector_store_idx %arg5[%shift_right_logical3A_978, %and3A_981], %broadcast_in_dim3A_7 : memref<256x256xf32, #tpu.memory_space<vmem>>[vector<16xi32>, vector<16xi32>], vector<16xf32>,
      %mul3A_982 = arith.constant 200 : i32
      %mul3A_983 = arith.muli %scan3A_19, %mul3A_982 : i32
      %add3A_984 = arith.constant 112 : i32
      %add3A_985 = arith.addi %mul3A_983, %add3A_984 : i32
      %get3A_986 = arith.index_cast %add3A_985 : i32 to index
      %get3A_987 = tpu.vector_load %arg7[%get3A_986] {strides = array<i32>} : memref<1600xi32, #tpu.memory_space<vmem>>, vector<16xi32>,
      %and3A_988 = arith.constant 131071 : i32
      %and3A_989 = vector.broadcast %and3A_988 : i32 to vector<16xi32>
      %and3A_990 = arith.andi %get3A_987, %and3A_989 : vector<16xi32>
      %shift_right_logical3A_991 = arith.constant 8 : i32
      %shift_right_logical3A_992 = vector.broadcast %shift_right_logical3A_991 : i32 to vector<16xi32>
      %shift_right_logical3A_993 = arith.shrui %and3A_990, %shift_right_logical3A_992 : vector<16xi32>
      %and3A_994 = arith.constant 255 : i32
      %and3A_995 = vector.broadcast %and3A_994 : i32 to vector<16xi32>
      %and3A_996 = arith.andi %and3A_990, %and3A_995 : vector<16xi32>
      tpu.vector_store_idx %arg5[%shift_right_logical3A_993, %and3A_996], %broadcast_in_dim3A_7 : memref<256x256xf32, #tpu.memory_space<vmem>>[vector<16xi32>, vector<16xi32>], vector<16xf32>,
      %mul3A_997 = arith.constant 200 : i32
      %mul3A_998 = arith.muli %scan3A_19, %mul3A_997 : i32
      %add3A_999 = arith.constant 128 : i32
      %add3A_1000 = arith.addi %mul3A_998, %add3A_999 : i32
      %get3A_1001 = arith.index_cast %add3A_1000 : i32 to index
      %get3A_1002 = tpu.vector_load %arg7[%get3A_1001] {strides = array<i32>} : memref<1600xi32, #tpu.memory_space<vmem>>, vector<16xi32>,
      %and3A_1003 = arith.constant 131071 : i32
      %and3A_1004 = vector.broadcast %and3A_1003 : i32 to vector<16xi32>
      %and3A_1005 = arith.andi %get3A_1002, %and3A_1004 : vector<16xi32>
      %shift_right_logical3A_1006 = arith.constant 8 : i32
      %shift_right_logical3A_1007 = vector.broadcast %shift_right_logical3A_1006 : i32 to vector<16xi32>
      %shift_right_logical3A_1008 = arith.shrui %and3A_1005, %shift_right_logical3A_1007 : vector<16xi32>
      %and3A_1009 = arith.constant 255 : i32
      %and3A_1010 = vector.broadcast %and3A_1009 : i32 to vector<16xi32>
      %and3A_1011 = arith.andi %and3A_1005, %and3A_1010 : vector<16xi32>
      tpu.vector_store_idx %arg5[%shift_right_logical3A_1008, %and3A_1011], %broadcast_in_dim3A_7 : memref<256x256xf32, #tpu.memory_space<vmem>>[vector<16xi32>, vector<16xi32>], vector<16xf32>,
      %mul3A_1012 = arith.constant 200 : i32
      %mul3A_1013 = arith.muli %scan3A_19, %mul3A_1012 : i32
      %add3A_1014 = arith.constant 144 : i32
      %add3A_1015 = arith.addi %mul3A_1013, %add3A_1014 : i32
      %get3A_1016 = arith.index_cast %add3A_1015 : i32 to index
      %get3A_1017 = tpu.vector_load %arg7[%get3A_1016] {strides = array<i32>} : memref<1600xi32, #tpu.memory_space<vmem>>, vector<16xi32>,
      %and3A_1018 = arith.constant 131071 : i32
      %and3A_1019 = vector.broadcast %and3A_1018 : i32 to vector<16xi32>
      %and3A_1020 = arith.andi %get3A_1017, %and3A_1019 : vector<16xi32>
      %shift_right_logical3A_1021 = arith.constant 8 : i32
      %shift_right_logical3A_1022 = vector.broadcast %shift_right_logical3A_1021 : i32 to vector<16xi32>
      %shift_right_logical3A_1023 = arith.shrui %and3A_1020, %shift_right_logical3A_1022 : vector<16xi32>
      %and3A_1024 = arith.constant 255 : i32
      %and3A_1025 = vector.broadcast %and3A_1024 : i32 to vector<16xi32>
      %and3A_1026 = arith.andi %and3A_1020, %and3A_1025 : vector<16xi32>
      tpu.vector_store_idx %arg5[%shift_right_logical3A_1023, %and3A_1026], %broadcast_in_dim3A_7 : memref<256x256xf32, #tpu.memory_space<vmem>>[vector<16xi32>, vector<16xi32>], vector<16xf32>,
      %mul3A_1027 = arith.constant 200 : i32
      %mul3A_1028 = arith.muli %scan3A_19, %mul3A_1027 : i32
      %add3A_1029 = arith.constant 160 : i32
      %add3A_1030 = arith.addi %mul3A_1028, %add3A_1029 : i32
      %get3A_1031 = arith.index_cast %add3A_1030 : i32 to index
      %get3A_1032 = tpu.vector_load %arg7[%get3A_1031] {strides = array<i32>} : memref<1600xi32, #tpu.memory_space<vmem>>, vector<16xi32>,
      %and3A_1033 = arith.constant 131071 : i32
      %and3A_1034 = vector.broadcast %and3A_1033 : i32 to vector<16xi32>
      %and3A_1035 = arith.andi %get3A_1032, %and3A_1034 : vector<16xi32>
      %shift_right_logical3A_1036 = arith.constant 8 : i32
      %shift_right_logical3A_1037 = vector.broadcast %shift_right_logical3A_1036 : i32 to vector<16xi32>
      %shift_right_logical3A_1038 = arith.shrui %and3A_1035, %shift_right_logical3A_1037 : vector<16xi32>
      %and3A_1039 = arith.constant 255 : i32
      %and3A_1040 = vector.broadcast %and3A_1039 : i32 to vector<16xi32>
      %and3A_1041 = arith.andi %and3A_1035, %and3A_1040 : vector<16xi32>
      tpu.vector_store_idx %arg5[%shift_right_logical3A_1038, %and3A_1041], %broadcast_in_dim3A_7 : memref<256x256xf32, #tpu.memory_space<vmem>>[vector<16xi32>, vector<16xi32>], vector<16xf32>,
      %mul3A_1042 = arith.constant 200 : i32
      %mul3A_1043 = arith.muli %scan3A_19, %mul3A_1042 : i32
      %add3A_1044 = arith.constant 176 : i32
      %add3A_1045 = arith.addi %mul3A_1043, %add3A_1044 : i32
      %get3A_1046 = arith.index_cast %add3A_1045 : i32 to index
      %get3A_1047 = tpu.vector_load %arg7[%get3A_1046] {strides = array<i32>} : memref<1600xi32, #tpu.memory_space<vmem>>, vector<16xi32>,
      %and3A_1048 = arith.constant 131071 : i32
      %and3A_1049 = vector.broadcast %and3A_1048 : i32 to vector<16xi32>
      %and3A_1050 = arith.andi %get3A_1047, %and3A_1049 : vector<16xi32>
      %shift_right_logical3A_1051 = arith.constant 8 : i32
      %shift_right_logical3A_1052 = vector.broadcast %shift_right_logical3A_1051 : i32 to vector<16xi32>
      %shift_right_logical3A_1053 = arith.shrui %and3A_1050, %shift_right_logical3A_1052 : vector<16xi32>
      %and3A_1054 = arith.constant 255 : i32
      %and3A_1055 = vector.broadcast %and3A_1054 : i32 to vector<16xi32>
      %and3A_1056 = arith.andi %and3A_1050, %and3A_1055 : vector<16xi32>
      tpu.vector_store_idx %arg5[%shift_right_logical3A_1053, %and3A_1056], %broadcast_in_dim3A_7 : memref<256x256xf32, #tpu.memory_space<vmem>>[vector<16xi32>, vector<16xi32>], vector<16xf32>,
      %mul3A_1057 = arith.constant 200 : i32
      %mul3A_1058 = arith.muli %scan3A_19, %mul3A_1057 : i32
      %add3A_1059 = arith.constant 184 : i32
      %add3A_1060 = arith.addi %mul3A_1058, %add3A_1059 : i32
      %get3A_1061 = arith.index_cast %add3A_1060 : i32 to index
      %get3A_1062 = tpu.vector_load %arg7[%get3A_1061] {strides = array<i32>} : memref<1600xi32, #tpu.memory_space<vmem>>, vector<16xi32>,
      %and3A_1063 = arith.constant 131071 : i32
      %and3A_1064 = vector.broadcast %and3A_1063 : i32 to vector<16xi32>
      %and3A_1065 = arith.andi %get3A_1062, %and3A_1064 : vector<16xi32>
      %shift_right_logical3A_1066 = arith.constant 8 : i32
      %shift_right_logical3A_1067 = vector.broadcast %shift_right_logical3A_1066 : i32 to vector<16xi32>
      %shift_right_logical3A_1068 = arith.shrui %and3A_1065, %shift_right_logical3A_1067 : vector<16xi32>
      %and3A_1069 = arith.constant 255 : i32
      %and3A_1070 = vector.broadcast %and3A_1069 : i32 to vector<16xi32>
      %and3A_1071 = arith.andi %and3A_1065, %and3A_1070 : vector<16xi32>
      tpu.vector_store_idx %arg5[%shift_right_logical3A_1068, %and3A_1071], %broadcast_in_dim3A_7 : memref<256x256xf32, #tpu.memory_space<vmem>>[vector<16xi32>, vector<16xi32>], vector<16xf32>,
    }
    %scan3A_18 = arith.constant 8 : i32
    return
  }
}

</mosaic_0001>

<sc_bundles>
// kernel: kernel.3.cloned.1.call-start
scs
__scs_entry_jumppad:
0x0: {  	(pc) =	sbr.rel $0x88, $3  }
0x1: {  	(tag) =	ssettag $0x0;
	lr =	simm.s32 $0x1  }
0x2: {  	[smem:$0x3FA0] =	sst lr;
	_ =	strace $0xD0000000  }
0x3: {  	_ = 	snop  }
0x4: {  	_ = 	snop  }
0x5: {  	_ = 	snop  }
0x6: {  	_ = 	snop  }
0x7: {  	_ = 	snop  }
__scs_overlays_trampoline_lowered:
0x8: {  	[smem:$0x3FAF] =	sst s0  }
0x9: {  	[smem:$0x3FB0] =	sst s1  }
0xa: {  	[smem:$0x3FB1] =	sst s2  }
0xb: {  	[smem:$0x3FB2] =	sst s3  }
0xc: {  	[smem:$0x3FB3] =	sst s4  }
0xd: {  	[smem:$0x3FB4] =	sst s5  }
0xe: {  	[smem:$0x3FB5] =	sst s6  }
0xf: {  	[smem:$0x3FB6] =	sst s7  }
0x10: {  	[smem:$0x3FB7] =	sst s8  }
0x11: {  	[smem:$0x3FB8] =	sst s9;
	s0 =	simm.s32 @!p0 $0x0  }
0x12: {  	s1 =	sld [smem:$0x3F9E];
	s0 =	simm.s32 @p0 $0x1  }
0x13: {  	[smem:$0x3FB9] =	sst s0;
	s0 =	simm.s32 @!p1 $0x0  }
0x14: {  	s2 =	sld [smem:$0x3F9D];
	s0 =	simm.s32 @p1 $0x1  }
0x15: {  	[smem:$0x3FBA] =	sst s0;
	s0 =	simm.s32 @!p2 $0x0  }
0x16: {  	s3 =	sld [smem:$0x3FDB];
	s0 =	simm.s32 @p2 $0x1  }
0x17: {  	s4 =	simm.s32 $0x1BF5;
	[smem:$0x3FBC] =	sst s0  }
0x18: {  	s0 =	sld [smem:$0x3F9F];
	_ =	swait.ge [sflag:s4], $0x0  }
0x19: {  	s7 =	sld [smem:$0x3FA0]  }
0x1a: {  	s8 =	sadd.s32 $0xFFFFE003, lr  }
0x1b: {  	s9 =	sadd.s32 $0xFFFFFEF7, lr;
	s5 =	simm.s32 $0xFFFFFFFF;
	p2 =	slt.u32 s8, $0xFFFFF086  }
0x1c: {  	p1 =	slt.u32 s9, $0xF7A;
	s5 =	simm.s32 @!p2 $0x0  }
0x1d: {  	s5 =	simm.s32 @p1 $0x1;
	p0 =	seq.s32 s7, s2  }
0x1e: {  	s7 =	smul.u32 @!p0 $0xF7A, s2;
	p2 =	seq.s32 @!p0 s5, $0x0  }
0x1f: {  	s9 =	smul.u32 $0xF7A, s1;
	s8 =	simm.s32 @!p0 $0x1BF5;
	p2 =	por !p2, p0  }
0x20: {  	[sflag:s8] =	ssyncset.s32 @!p0 $0xFFFFF086;
	s6 =	sadd.s32 @!p0 s3, s7;
	s7 =	simm.s32 @!p0 $0x108  }
0x21: {  	s3 =	sadd.s32 s3, s9;
	s6 =	sadd.s32 @!p0 $0x88, s6;
	s7 =	simm.s32 @p2 $0x1082  }
0x22: {  	[simem:s7], [sflag:s8] =	dma.local @!p0 [hbm:s6], $0xF7A  }
0x23: {  	s9 =	sor.u32 $0xD0000000, s2;
	s6 =	simm.s32 $0x108;
	_ =	swait.ge @!p0 [sflag:s8], $0x0  }
0x24: {  	s3 =	sadd.s32 $0x88, s3;
	s6 =	simm.s32 @!p1 $0x1082;
	[sflag:s4] =	ssyncset.s32 $0xFFFFF086  }
0x25: {  	[simem:s6], [sflag:s4] =	dma.local [hbm:s3], $0xF7A  }
0x26: {  	[smem:$0x3FA0] =	sst s1;
	(tag) =	ssettag s2;
	_ =	strace s9  }
0x27: {  	s1 =	sld [smem:$0x3FB0]  }
0x28: {  	s2 =	sld [smem:$0x3FB1]  }
0x29: {  	s4 =	sld [smem:$0x3FB3]  }
0x2a: {  	p0 =	seq.s32 s5, $0x0;
	s5 =	sld [smem:$0x3FB4]  }
0x2b: {  	s6 =	sld [smem:$0x3FB5]  }
0x2c: {  	s7 =	sld [smem:$0x3FB6]  }
0x2d: {  	s3 =	simm.s32 $0x108;
	s8 =	sld [smem:$0x3FB7]  }
0x2e: {  	s3 =	simm.s32 @!p0 $0x1082;
	s9 =	sld [smem:$0x3FB8]  }
0x2f: {  	lr =	sadd.s32 s0, s3;
	s0 =	sld [smem:$0x3FAF]  }
0x30: {  	s3 =	sld [smem:$0x3FB2]  }
0x31: {  	[smem:$0x3FBB] =	sst s10  }
0x32: {  	s10 =	sld [smem:$0x3FB9];
	_ =	sdelay $0x3  }
0x33: {  	p0 =	seq.s32 s10, $0x1;
	s10 =	sld [smem:$0x3FBB];
	_ =	sdelay $0x3  }
0x34: {  	[smem:$0x3FBB] =	sst s10  }
0x35: {  	s10 =	sld [smem:$0x3FBA];
	_ =	sdelay $0x3  }
0x36: {  	p1 =	seq.s32 s10, $0x1;
	s10 =	sld [smem:$0x3FBB];
	_ =	sdelay $0x3  }
0x37: {  	[smem:$0x3FBB] =	sst s10  }
0x38: {  	s10 =	sld [smem:$0x3FBC]  }
0x39: {  	_ = 	snop;
	(pc) =	sbr.ind lr, $3  }
0x3a: {  	_ = 	snop  }
0x3b: {  	_ = 	snop  }
0x3c: {  	p2 =	seq.s32 s10, $0x1;
	s10 =	sld [smem:$0x3FBB]  }
0x3d: {  	_ =	shalt  }
0x3e: {  	_ =	shalt  }
0x3f: {  	_ =	shalt  }
0x40: {  	_ =	shalt  }
0x41: {  	_ =	shalt  }
0x42: {  	_ =	shalt  }
0x43: {  	_ =	shalt  }
0x44: {  	_ =	shalt  }
0x45: {  	_ =	shalt  }
0x46: {  	_ =	shalt  }
0x47: {  	_ =	shalt  }
0x48: {  	_ =	shalt  }
0x49: {  	_ =	shalt  }
0x4a: {  	_ =	shalt  }
0x4b: {  	_ =	shalt  }
0x4c: {  	_ =	shalt  }
0x4d: {  	_ =	shalt  }
0x4e: {  	_ =	shalt  }
0x4f: {  	_ =	shalt  }
0x50: {  	_ =	shalt  }
0x51: {  	_ =	shalt  }
0x52: {  	_ =	shalt  }
0x53: {  	_ =	shalt  }
0x54: {  	_ =	shalt  }
0x55: {  	_ =	shalt  }
0x56: {  	_ =	shalt  }
0x57: {  	_ =	shalt  }
0x58: {  	_ =	shalt  }
0x59: {  	_ =	shalt  }
0x5a: {  	_ =	shalt  }
0x5b: {  	_ =	shalt  }
0x5c: {  	_ =	shalt  }
0x5d: {  	_ =	shalt  }
0x5e: {  	_ =	shalt  }
0x5f: {  	_ =	shalt  }
0x60: {  	_ =	shalt  }
0x61: {  	_ =	shalt  }
0x62: {  	_ =	shalt  }
0x63: {  	_ =	shalt  }
0x64: {  	_ =	shalt  }
0x65: {  	_ =	shalt  }
0x66: {  	_ =	shalt  }
0x67: {  	_ =	shalt  }
0x68: {  	_ =	shalt  }
0x69: {  	_ =	shalt  }
0x6a: {  	_ =	shalt  }
0x6b: {  	_ =	shalt  }
0x6c: {  	_ =	shalt  }
0x6d: {  	_ =	shalt  }
0x6e: {  	_ =	shalt  }
0x6f: {  	_ =	shalt  }
0x70: {  	_ =	shalt  }
0x71: {  	_ =	shalt  }
0x72: {  	_ =	shalt  }
0x73: {  	_ =	shalt  }
0x74: {  	_ =	shalt  }
0x75: {  	_ =	shalt  }
0x76: {  	_ =	shalt  }
0x77: {  	_ =	shalt  }
0x78: {  	_ =	shalt  }
0x79: {  	_ =	shalt  }
0x7a: {  	_ =	shalt  }
0x7b: {  	_ =	shalt  }
0x7c: {  	_ =	shalt  }
0x7d: {  	_ =	shalt  }
0x7e: {  	_ =	shalt  }
0x7f: {  	_ =	shalt  }
0x80: {  	_ =	shalt  }
0x81: {  	_ =	shalt  }
0x82: {  	_ =	shalt  }
0x83: {  	_ =	shalt  }
0x84: {  	_ =	shalt  }
0x85: {  	_ =	shalt  }
0x86: {  	_ =	shalt  }
0x87: {  	_ =	shalt  }
.Lfunc_end0:
.L_simem_size_0:
called_computation_lowered:
.L_overlay_start_0:
0x88: {  	s2 =	sld [smem:$0x3FD9]  }
0x89: {  	s3 =	sld [smem:$0x3FFE];
	_ =	sdelay $0x1  }
0x8a: {  	s1 =	srdreg.scid  }
0x8b: {  	s0 =	sand.u32 $0x1, s1  }
0x8c: {  	s17 =	sshll.u32 s0, $0xA;
	s2 =	sadd.s32 s3, s2  }
0x8d: {  	s2 =	sadd.s32 s2, s17  }
0x8e: {  	[smem:$0x3FC7] =	sst s2  }
0x8f: {  	_ = 	snop  }
0x90: {  	s2 =	sld [smem:$0x3FD0];
	(tm) =	ssettm $0x1  }
0x91: {  	s18 =	sld [smem:$0x3FFB];
	_ =	sdelay $0x3  }
0x92: {  	_ =	strace s18  }
0x93: {  	s3 =	sld [smem:$0x3FFC];
	_ =	sdelay $0x3  }
0x94: {  	_ =	strace s3  }
0x95: {  	s3 =	sld [smem:$0x3FFD];
	_ =	sdelay $0x3  }
0x96: {  	_ =	strace s3  }
0x97: {  	_ =	strace $0x8FFFFFFF  }
0x98: {  	s19 =	sld [smem:$0x3FDB];
	_ =	sdelay $0x1  }
0x99: {  	s4 =	simm.s32 $_scs_section_size  }
0x9a: {  	s5 =	simm.s32 $_size__tile_overlayer_lowered;
	s6 =	simm.s32 $_tile_overlayer_lowered  }
0x9b: {  	s22 =	simm.s32 $0x1BFF;
	s21 =	sshll.u32 s6, $0x1;
	s3 =	sadd.s32 s4, s19  }
0x9c: {  	s7 =	simm.s32 $0x0;
	s20 =	sshll.u32 s5, $0x1;
	s5 =	sadd.s32 s21, s3  }
0x9d: {  	[timem:s7], [sflag:s22] =	dma.local [hbm:s5], s20  }
0x9e: {  	_ =	swait.ge [sflag:s22], s20  }
0x9f: {  	s4 =	ssub.s32 $0x0, s20;
	[sflag:s22] =	ssyncset.done $0x0  }
0xa0: {  	[sflag:s22] =	ssyncadd.s32 s4;
	_ =	sdelay $0x1  }
0xa1: {  	s23 =	simm.s32 $0x1B8B  }
0xa2: {  	_ =	swait.ge [sflag:s23], $0x1  }
0xa3: {  	[sflag:s23] =	ssyncset.done $0x0  }
0xa4: {  	s25 =	simm.s32 $0x1B8E;
	s24 =	sld [smem:$0x3FFE];
	[sflag:s23] =	ssyncadd.s32 $0xFFFFFFFF  }
0xa5: {  	s26 =	simm.s32 $execute0_lowered;
	[smem:$0x3FD2] =	sst s25  }
0xa6: {  	s5 =	sshll.u32 s26, $0x1;
	_ =	strace $0x80000046;
	[dreg:$0x1] =	wrdreg $0xFFFFFFFF  }
0xa7: {  	s28 =	simm.s32 $_size_execute0_lowered;
	s3 =	sadd.s32 s3, s5;
	[dreg:$0x0] =	wrdreg $0x0  }
0xa8: {  	s5 =	sshll.u32 s28, $0x1;
	[dreg:$0x2] =	wrdreg s3  }
0xa9: {  	[dreg:$0x3] =	wrdreg s5  }
0xaa: {  	[dreg:$0x4] =	wrdreg $0xC0  }
0xab: {  	_ =	task [dreg:s7], $0x5FFFF  }
0xac: {  	[dreg:$0x1] =	wrdreg $0xFFFFFFFF  }
0xad: {  	[dreg:$0x0] =	wrdreg $0x60  }
0xae: {  	[dreg:$0x2] =	wrdreg s24  }
0xaf: {  	[dreg:$0x3] =	wrdreg s2  }
0xb0: {  	[dreg:$0x4] =	wrdreg $0x9  }
0xb1: {  	_ =	task.clear_ibuf [dreg:s7], $0x5FFFF;
	_ =	strace $0x90000046  }
0xb2: {  	s29 =	simm.s32 $0x9;
	_ =	strace $0x80000048  }
0xb3: {  	_ =	swait.ge [sflag:s29], $0x1  }
0xb4: {  	[sflag:s29] =	ssyncadd.s32 $0xFFFFFFFF  }
0xb5: {  	_ =	strace $0x90000048  }
0xb6: {  	_ =	sfence  }
0xb7: {  	s30 =	sld [smem:$0x0];
	_ =	sdelay $0x2  }
0xb8: {  	s31 =	sshll.u32 s1, $0xD;
	s1 =	sshrl.u32 s1, $0x2  }
0xb9: {  	s3 =	sand.u32 $0x4000, s31;
	s1 =	sadd.s32 s1, s30  }
0xba: {  	s0 =	sor.u32 s3, s0;
	s1 =	sshll.u32 s1, $0x11  }
0xbb: {  	s0 =	sor.u32 s1, s0  }
0xbc: {  	s0 =	sadd.s32 $0x8F2B, s0  }
0xbd: {  	[sflag:s0] =	ssyncadd.remote.s32 $0x1  }
0xbe: {  	_ =	sfence.sel $0xFFFF  }
0xbf: {  	[dreg:$0x0] =	wrdreg $0xFFFFFFFF;
	(pc) =	sbr.abs _section_cstart, $3  }
0xc0: {  	[dreg:$0x1] =	wrdreg $0xFFFFFFFF  }
0xc1: {  	_ =	task.clear_ibuf [dreg:s7], $0x2FFFF;
	_ =	strace $0x9FFFFFFF  }
0xc2: {  	(tm) =	ssettm $0x7FFFFFFF  }
0xc3: {  	_ =	shalt  }
tec
execute0_lowered:
.L_overlay_start_1:
0x0: {  	(tag) =	ssettag $0x1  }
0x1: {  	s3 =	rddreg [dreg:$0x0]  }
0x2: {  	s4 =	rddreg [dreg:$0x1]  }
0x3: {  	s2 =	srdreg.scid;
	s1 =	stileid.u32  }
0x4: {  	s0 =	rddreg [dreg:$0x2];
	s9 =	simm.s32 $0x10680;
	s10 =	simm.s32 $0x1  }
0x5: {  	s11 =	simm.s32 $0x0;
	s5 =	sand.u32 $0x1, s2;
	s6 =	sshll.u32 s1, $0x1  }
0x6: {  	v0 =	vimm.f32 $0.0e+00;
	s2 =	simm.s32 $0x0;
	s29 =	sshll.u32 s1, $0x12;
	s7 =	ssub.s32 $0x2, s5  }
0x7: {  	vm0 =	vcmask $0x704;
	vm1 =	vcmask $0xB08;
	vm2 =	vcmask $0xF0C;
	s6 =	sor.u32 s5, s6;
	[smem:$0x7FF] =	sst s2;
	s30 =	sadd.s32 s29, s4  }
0x8: {  	vm3 =	vcmask $0x1310;
	vm4 =	vcmask $0x1714;
	vm5 =	vcmask $0x1B18;
	s31 =	sshll.u32 s5, $0x11;
	s8 =	sshrl.u32 s7, $0x1;
	s6 =	smul.u32 $0xC8, s6  }
0x9: {  	vm6 =	vcmask $0x1F1C;
	vm7 =	vcmask $0x2320;
	vm8 =	vcmask $0x2724;
	_ =	strace $0x80000047;
	s7 =	ssub.s32 s7, s8;
	s8 =	simm.s32 $0x2  }
0xa: {  	vm9 =	vcmask $0x2B28;
	vm10 =	vcmask $0x2F2C;
	vm11 =	vcmask $0x3330;
	s3 =	sadd.s32 s3, s6;
	s5 =	smax.u32 s7, $0x1;
	s6 =	sadd.s32 s31, s30  }
0xb: {  	vm12 =	vcmask $0x3734;
	vm13 =	vcmask $0x3B38;
	vm14 =	vcmask $0x3F3C;
	s7 =	simm.s32 $0x10000;
	s4 =	sadd.s32 $0x1A00, s3;
	s6 =	sadd.s32 $0x2000, s6  }
.LBB2_1:
0xc: {  	[tilespmem:s7], [sflag:$0x2] =	stream.linear.gather [hbm4b:s4+s2], $0x640, $0x38;
	[tilespmem:$0x10D00] =	vst v63  }
0xd: {  	_ =	swait.ge [sflag:s8], $0x640  }
0xe: {  	[sflag:s8] =	ssyncset.done $0x0  }
0xf: {  	[sflag:s8] =	ssyncadd.s32 $0xFFFFF9C0  }
0x10: {  	[tilespmem:s9], [sflag:$0x2] =	stream.linear.gather [hbm4b:s3+s2], $0x640, $0x38;
	[tilespmem:$0x10D00] =	vst v63  }
0x11: {  	_ =	swait.ge [sflag:s8], $0x640  }
0x12: {  	s12 =	sand.u32 $0xF800, s2;
	s13 =	sand.u32 $0x380, s2;
	[sflag:s8] =	ssyncset.done $0x0  }
0x13: {  	s12 =	sor.u32 s13, s12;
	[sflag:s8] =	ssyncadd.s32 $0xFFFFF9C0  }
0x14: {  	[tilespmem:s12+$0x470] =	vst v0  }
0x15: {  	[tilespmem:s12+$0x0] =	vst v0  }
0x16: {  	[tilespmem:s12+$0x10] =	vst v0  }
0x17: {  	[tilespmem:s12+$0x20] =	vst v0  }
0x18: {  	[tilespmem:s12+$0x30] =	vst v0  }
0x19: {  	[tilespmem:s12+$0x40] =	vst v0  }
0x1a: {  	[tilespmem:s12+$0x50] =	vst v0  }
0x1b: {  	[tilespmem:s12+$0x60] =	vst v0  }
0x1c: {  	[tilespmem:s12+$0x70] =	vst v0  }
0x1d: {  	[tilespmem:s12+$0x400] =	vst v0  }
0x1e: {  	[tilespmem:s12+$0x410] =	vst v0  }
0x1f: {  	[tilespmem:s12+$0x420] =	vst v0  }
0x20: {  	[tilespmem:s12+$0x430] =	vst v0  }
0x21: {  	s14 =	simm.s32 $0x100;
	s13 =	simm.s32 $0x80;
	[tilespmem:s12+$0x440] =	vst v0  }
0x22: {  	s15 =	sand.u32 $0xF800, s14;
	s14 =	simm.s32 $0x200;
	s16 =	sand.u32 $0x380, s13;
	[tilespmem:s12+$0x450] =	vst v0  }
.LBB2_2:
0x23: {  	p0 =	sne.s32 s14, $0xFF00;
	[tilespmem:s12+$0x460] =	vst v0;
	s12 =	sor.u32 s16, s15  }
0x24: {  	[tilespmem:s12+$0x470] =	vst v0  }
0x25: {  	[tilespmem:s12+$0x0] =	vst v0  }
0x26: {  	[tilespmem:s12+$0x10] =	vst v0  }
0x27: {  	[tilespmem:s12+$0x20] =	vst v0  }
0x28: {  	[tilespmem:s12+$0x30] =	vst v0  }
0x29: {  	[tilespmem:s12+$0x40] =	vst v0  }
0x2a: {  	[tilespmem:s12+$0x50] =	vst v0  }
0x2b: {  	[tilespmem:s12+$0x60] =	vst v0  }
0x2c: {  	[tilespmem:s12+$0x70] =	vst v0  }
0x2d: {  	[tilespmem:s12+$0x400] =	vst v0  }
.Ltmp0:
0x2e: {  	[tilespmem:s12+$0x410] =	vst v0;
	(pc) =	sbr.rel @p0 .LBB2_2-.Ltmp0, $4  }
0x2f: {  	[tilespmem:s12+$0x420] =	vst v0  }
0x30: {  	[tilespmem:s12+$0x430] =	vst v0  }
0x31: {  	s13 =	sadd.s32 $0x80, s13;
	[tilespmem:s12+$0x440] =	vst v0  }
0x32: {  	s15 =	sand.u32 $0xF800, s14;
	s14 =	sadd.s32 $0x100, s14;
	s16 =	sand.u32 $0x380, s13;
	[tilespmem:s12+$0x450] =	vst v0  }
0x33: {  	s13 =	sor.u32 s16, s15;
	[tilespmem:s12+$0x460] =	vst v0  }
0x34: {  	[tilespmem:s13+$0x470] =	vst v0  }
0x35: {  	[tilespmem:s13+$0x0] =	vst v0  }
0x36: {  	[tilespmem:s13+$0x10] =	vst v0  }
0x37: {  	[tilespmem:s13+$0x20] =	vst v0  }
0x38: {  	[tilespmem:s13+$0x30] =	vst v0  }
0x39: {  	[tilespmem:s13+$0x40] =	vst v0  }
0x3a: {  	[tilespmem:s13+$0x50] =	vst v0  }
0x3b: {  	[tilespmem:s13+$0x60] =	vst v0  }
0x3c: {  	[tilespmem:s13+$0x70] =	vst v0  }
0x3d: {  	[tilespmem:s13+$0x400] =	vst v0  }
0x3e: {  	[tilespmem:s13+$0x410] =	vst v0  }
0x3f: {  	[tilespmem:s13+$0x420] =	vst v0  }
0x40: {  	[tilespmem:s13+$0x430] =	vst v0  }
0x41: {  	[tilespmem:s13+$0x440] =	vst v0  }
0x42: {  	s12 =	simm.s32 $0x0;
	[tilespmem:s13+$0x450] =	vst v0  }
0x43: {  	s14 =	simm.s32 $0x10060;
	s15 =	smov.u32 s6;
	[tilespmem:s13+$0x460] =	vst v0;
	s13 =	simm.s32 $0x106E0  }
.LBB2_4:
0x44: {  	v1 =	vld [tilespmem:s13+$0xFFFFFFA0];
	_ =	sdelay $0x4  }
0x45: {  	v2 =	vshll.u32 v1, $0x3  }
0x46: {  	v3 =	vshrl.u32 v1, $0x1;
	v1 =	vand.u32 $0x1F87F, v1;
	v2 =	vand.u32 $0x400, v2  }
0x47: {  	v3 =	vand.u32 $0x380, v3;
	v1 =	vor.u32 v2, v1  }
0x48: {  	v2 =	vld [tilespmem:s14+$0xFFFFFFA0];
	v1 =	vor.u32 v3, v1;
	_ =	sdelay $0x4  }
0x49: {  	[tilespmem:v1+s2+$0x0] =	vst.idx.msk $0x1, v2  }
0x4a: {  	[tilespmem:v1+s2+$0x0] =	vst.idx.msk vm0, v2  }
0x4b: {  	[tilespmem:v1+s2+$0x0] =	vst.idx.msk vm1, v2  }
0x4c: {  	[tilespmem:v1+s2+$0x0] =	vst.idx.msk vm2, v2  }
0x4d: {  	[tilespmem:v1+s2+$0x0] =	vst.idx.msk vm3, v2  }
0x4e: {  	[tilespmem:v1+s2+$0x0] =	vst.idx.msk vm4, v2  }
0x4f: {  	[tilespmem:v1+s2+$0x0] =	vst.idx.msk vm5, v2  }
0x50: {  	[tilespmem:v1+s2+$0x0] =	vst.idx.msk vm6, v2  }
0x51: {  	[tilespmem:v1+s2+$0x0] =	vst.idx.msk vm7, v2  }
0x52: {  	[tilespmem:v1+s2+$0x0] =	vst.idx.msk vm8, v2  }
0x53: {  	[tilespmem:v1+s2+$0x0] =	vst.idx.msk vm9, v2  }
0x54: {  	[tilespmem:v1+s2+$0x0] =	vst.idx.msk vm10, v2  }
0x55: {  	[tilespmem:v1+s2+$0x0] =	vst.idx.msk vm11, v2  }
0x56: {  	[tilespmem:v1+s2+$0x0] =	vst.idx.msk vm12, v2  }
0x57: {  	[tilespmem:v1+s2+$0x0] =	vst.idx.msk vm13, v2  }
0x58: {  	[tilespmem:v1+s2+$0x0] =	vst.idx.msk vm14, v2  }
0x59: {  	v1 =	vld [tilespmem:s13+$0xFFFFFFB0];
	_ =	sdelay $0x4  }
0x5a: {  	v2 =	vshll.u32 v1, $0x3  }
0x5b: {  	v3 =	vshrl.u32 v1, $0x1;
	v1 =	vand.u32 $0x1F87F, v1;
	v2 =	vand.u32 $0x400, v2  }
0x5c: {  	v3 =	vand.u32 $0x380, v3;
	v1 =	vor.u32 v2, v1  }
0x5d: {  	v2 =	vld [tilespmem:s14+$0xFFFFFFB0];
	v1 =	vor.u32 v3, v1;
	_ =	sdelay $0x4  }
0x5e: {  	[tilespmem:v1+s2+$0x0] =	vst.idx.msk $0x1, v2  }
0x5f: {  	[tilespmem:v1+s2+$0x0] =	vst.idx.msk vm0, v2  }
0x60: {  	[tilespmem:v1+s2+$0x0] =	vst.idx.msk vm1, v2  }
0x61: {  	[tilespmem:v1+s2+$0x0] =	vst.idx.msk vm2, v2  }
0x62: {  	[tilespmem:v1+s2+$0x0] =	vst.idx.msk vm3, v2  }
0x63: {  	[tilespmem:v1+s2+$0x0] =	vst.idx.msk vm4, v2  }
0x64: {  	[tilespmem:v1+s2+$0x0] =	vst.idx.msk vm5, v2  }
0x65: {  	[tilespmem:v1+s2+$0x0] =	vst.idx.msk vm6, v2  }
0x66: {  	[tilespmem:v1+s2+$0x0] =	vst.idx.msk vm7, v2  }
0x67: {  	[tilespmem:v1+s2+$0x0] =	vst.idx.msk vm8, v2  }
0x68: {  	[tilespmem:v1+s2+$0x0] =	vst.idx.msk vm9, v2  }
0x69: {  	[tilespmem:v1+s2+$0x0] =	vst.idx.msk vm10, v2  }
0x6a: {  	[tilespmem:v1+s2+$0x0] =	vst.idx.msk vm11, v2  }
0x6b: {  	[tilespmem:v1+s2+$0x0] =	vst.idx.msk vm12, v2  }
0x6c: {  	[tilespmem:v1+s2+$0x0] =	vst.idx.msk vm13, v2  }
0x6d: {  	[tilespmem:v1+s2+$0x0] =	vst.idx.msk vm14, v2  }
0x6e: {  	v1 =	vld [tilespmem:s13+$0xFFFFFFC0];
	_ =	sdelay $0x4  }
0x6f: {  	v2 =	vshll.u32 v1, $0x3  }
0x70: {  	v3 =	vshrl.u32 v1, $0x1;
	v1 =	vand.u32 $0x1F87F, v1;
	v2 =	vand.u32 $0x400, v2  }
0x71: {  	v3 =	vand.u32 $0x380, v3;
	v1 =	vor.u32 v2, v1  }
0x72: {  	v2 =	vld [tilespmem:s14+$0xFFFFFFC0];
	v1 =	vor.u32 v3, v1;
	_ =	sdelay $0x4  }
0x73: {  	[tilespmem:v1+s2+$0x0] =	vst.idx.msk $0x1, v2  }
0x74: {  	[tilespmem:v1+s2+$0x0] =	vst.idx.msk vm0, v2  }
0x75: {  	[tilespmem:v1+s2+$0x0] =	vst.idx.msk vm1, v2  }
0x76: {  	[tilespmem:v1+s2+$0x0] =	vst.idx.msk vm2, v2  }
0x77: {  	[tilespmem:v1+s2+$0x0] =	vst.idx.msk vm3, v2  }
0x78: {  	[tilespmem:v1+s2+$0x0] =	vst.idx.msk vm4, v2  }
0x79: {  	[tilespmem:v1+s2+$0x0] =	vst.idx.msk vm5, v2  }
0x7a: {  	[tilespmem:v1+s2+$0x0] =	vst.idx.msk vm6, v2  }
0x7b: {  	[tilespmem:v1+s2+$0x0] =	vst.idx.msk vm7, v2  }
0x7c: {  	[tilespmem:v1+s2+$0x0] =	vst.idx.msk vm8, v2  }
0x7d: {  	[tilespmem:v1+s2+$0x0] =	vst.idx.msk vm9, v2  }
0x7e: {  	[tilespmem:v1+s2+$0x0] =	vst.idx.msk vm10, v2  }
0x7f: {  	[tilespmem:v1+s2+$0x0] =	vst.idx.msk vm11, v2  }
0x80: {  	[tilespmem:v1+s2+$0x0] =	vst.idx.msk vm12, v2  }
0x81: {  	[tilespmem:v1+s2+$0x0] =	vst.idx.msk vm13, v2  }
0x82: {  	[tilespmem:v1+s2+$0x0] =	vst.idx.msk vm14, v2  }
0x83: {  	v1 =	vld [tilespmem:s13+$0xFFFFFFD0];
	_ =	sdelay $0x4  }
0x84: {  	v2 =	vshll.u32 v1, $0x3  }
0x85: {  	v3 =	vshrl.u32 v1, $0x1;
	v1 =	vand.u32 $0x1F87F, v1;
	v2 =	vand.u32 $0x400, v2  }
0x86: {  	v3 =	vand.u32 $0x380, v3;
	v1 =	vor.u32 v2, v1  }
0x87: {  	v2 =	vld [tilespmem:s14+$0xFFFFFFD0];
	v1 =	vor.u32 v3, v1;
	_ =	sdelay $0x4  }
0x88: {  	[tilespmem:v1+s2+$0x0] =	vst.idx.msk $0x1, v2  }
0x89: {  	[tilespmem:v1+s2+$0x0] =	vst.idx.msk vm0, v2  }
0x8a: {  	[tilespmem:v1+s2+$0x0] =	vst.idx.msk vm1, v2  }
0x8b: {  	[tilespmem:v1+s2+$0x0] =	vst.idx.msk vm2, v2  }
0x8c: {  	[tilespmem:v1+s2+$0x0] =	vst.idx.msk vm3, v2  }
0x8d: {  	[tilespmem:v1+s2+$0x0] =	vst.idx.msk vm4, v2  }
0x8e: {  	[tilespmem:v1+s2+$0x0] =	vst.idx.msk vm5, v2  }
0x8f: {  	[tilespmem:v1+s2+$0x0] =	vst.idx.msk vm6, v2  }
0x90: {  	[tilespmem:v1+s2+$0x0] =	vst.idx.msk vm7, v2  }
0x91: {  	[tilespmem:v1+s2+$0x0] =	vst.idx.msk vm8, v2  }
0x92: {  	[tilespmem:v1+s2+$0x0] =	vst.idx.msk vm9, v2  }
0x93: {  	[tilespmem:v1+s2+$0x0] =	vst.idx.msk vm10, v2  }
0x94: {  	[tilespmem:v1+s2+$0x0] =	vst.idx.msk vm11, v2  }
0x95: {  	[tilespmem:v1+s2+$0x0] =	vst.idx.msk vm12, v2  }
0x96: {  	[tilespmem:v1+s2+$0x0] =	vst.idx.msk vm13, v2  }
0x97: {  	[tilespmem:v1+s2+$0x0] =	vst.idx.msk vm14, v2  }
0x98: {  	v1 =	vld [tilespmem:s13+$0xFFFFFFE0];
	_ =	sdelay $0x4  }
0x99: {  	v2 =	vshll.u32 v1, $0x3  }
0x9a: {  	v3 =	vshrl.u32 v1, $0x1;
	v1 =	vand.u32 $0x1F87F, v1;
	v2 =	vand.u32 $0x400, v2  }
0x9b: {  	v3 =	vand.u32 $0x380, v3;
	v1 =	vor.u32 v2, v1  }
0x9c: {  	v2 =	vld [tilespmem:s14+$0xFFFFFFE0];
	v1 =	vor.u32 v3, v1;
	_ =	sdelay $0x4  }
0x9d: {  	[tilespmem:v1+s2+$0x0] =	vst.idx.msk $0x1, v2  }
0x9e: {  	[tilespmem:v1+s2+$0x0] =	vst.idx.msk vm0, v2  }
0x9f: {  	[tilespmem:v1+s2+$0x0] =	vst.idx.msk vm1, v2  }
0xa0: {  	[tilespmem:v1+s2+$0x0] =	vst.idx.msk vm2, v2  }
0xa1: {  	[tilespmem:v1+s2+$0x0] =	vst.idx.msk vm3, v2  }
0xa2: {  	[tilespmem:v1+s2+$0x0] =	vst.idx.msk vm4, v2  }
0xa3: {  	[tilespmem:v1+s2+$0x0] =	vst.idx.msk vm5, v2  }
0xa4: {  	[tilespmem:v1+s2+$0x0] =	vst.idx.msk vm6, v2  }
0xa5: {  	[tilespmem:v1+s2+$0x0] =	vst.idx.msk vm7, v2  }
0xa6: {  	[tilespmem:v1+s2+$0x0] =	vst.idx.msk vm8, v2  }
0xa7: {  	[tilespmem:v1+s2+$0x0] =	vst.idx.msk vm9, v2  }
0xa8: {  	[tilespmem:v1+s2+$0x0] =	vst.idx.msk vm10, v2  }
0xa9: {  	[tilespmem:v1+s2+$0x0] =	vst.idx.msk vm11, v2  }
0xaa: {  	[tilespmem:v1+s2+$0x0] =	vst.idx.msk vm12, v2  }
0xab: {  	[tilespmem:v1+s2+$0x0] =	vst.idx.msk vm13, v2  }
0xac: {  	[tilespmem:v1+s2+$0x0] =	vst.idx.msk vm14, v2  }
0xad: {  	v1 =	vld [tilespmem:s13+$0xFFFFFFF0];
	_ =	sdelay $0x4  }
0xae: {  	v2 =	vshll.u32 v1, $0x3  }
0xaf: {  	v3 =	vshrl.u32 v1, $0x1;
	v1 =	vand.u32 $0x1F87F, v1;
	v2 =	vand.u32 $0x400, v2  }
0xb0: {  	v3 =	vand.u32 $0x380, v3;
	v1 =	vor.u32 v2, v1  }
0xb1: {  	v2 =	vld [tilespmem:s14+$0xFFFFFFF0];
	v1 =	vor.u32 v3, v1;
	_ =	sdelay $0x4  }
0xb2: {  	[tilespmem:v1+s2+$0x0] =	vst.idx.msk $0x1, v2  }
0xb3: {  	[tilespmem:v1+s2+$0x0] =	vst.idx.msk vm0, v2  }
0xb4: {  	[tilespmem:v1+s2+$0x0] =	vst.idx.msk vm1, v2  }
0xb5: {  	[tilespmem:v1+s2+$0x0] =	vst.idx.msk vm2, v2  }
0xb6: {  	[tilespmem:v1+s2+$0x0] =	vst.idx.msk vm3, v2  }
0xb7: {  	[tilespmem:v1+s2+$0x0] =	vst.idx.msk vm4, v2  }
0xb8: {  	[tilespmem:v1+s2+$0x0] =	vst.idx.msk vm5, v2  }
0xb9: {  	[tilespmem:v1+s2+$0x0] =	vst.idx.msk vm6, v2  }
0xba: {  	[tilespmem:v1+s2+$0x0] =	vst.idx.msk vm7, v2  }
0xbb: {  	[tilespmem:v1+s2+$0x0] =	vst.idx.msk vm8, v2  }
0xbc: {  	[tilespmem:v1+s2+$0x0] =	vst.idx.msk vm9, v2  }
0xbd: {  	[tilespmem:v1+s2+$0x0] =	vst.idx.msk vm10, v2  }
0xbe: {  	[tilespmem:v1+s2+$0x0] =	vst.idx.msk vm11, v2  }
0xbf: {  	[tilespmem:v1+s2+$0x0] =	vst.idx.msk vm12, v2  }
0xc0: {  	[tilespmem:v1+s2+$0x0] =	vst.idx.msk vm13, v2  }
0xc1: {  	[tilespmem:v1+s2+$0x0] =	vst.idx.msk vm14, v2  }
0xc2: {  	v1 =	vld [tilespmem:s13+$0x0];
	_ =	sdelay $0x4  }
0xc3: {  	v2 =	vshll.u32 v1, $0x3  }
0xc4: {  	v3 =	vshrl.u32 v1, $0x1;
	v1 =	vand.u32 $0x1F87F, v1;
	v2 =	vand.u32 $0x400, v2  }
0xc5: {  	v3 =	vand.u32 $0x380, v3;
	v1 =	vor.u32 v2, v1  }
0xc6: {  	v2 =	vld [tilespmem:s14+$0x0];
	v1 =	vor.u32 v3, v1;
	_ =	sdelay $0x4  }
0xc7: {  	[tilespmem:v1+s2+$0x0] =	vst.idx.msk $0x1, v2  }
0xc8: {  	[tilespmem:v1+s2+$0x0] =	vst.idx.msk vm0, v2  }
0xc9: {  	[tilespmem:v1+s2+$0x0] =	vst.idx.msk vm1, v2  }
0xca: {  	[tilespmem:v1+s2+$0x0] =	vst.idx.msk vm2, v2  }
0xcb: {  	[tilespmem:v1+s2+$0x0] =	vst.idx.msk vm3, v2  }
0xcc: {  	[tilespmem:v1+s2+$0x0] =	vst.idx.msk vm4, v2  }
0xcd: {  	[tilespmem:v1+s2+$0x0] =	vst.idx.msk vm5, v2  }
0xce: {  	[tilespmem:v1+s2+$0x0] =	vst.idx.msk vm6, v2  }
0xcf: {  	[tilespmem:v1+s2+$0x0] =	vst.idx.msk vm7, v2  }
0xd0: {  	[tilespmem:v1+s2+$0x0] =	vst.idx.msk vm8, v2  }
0xd1: {  	[tilespmem:v1+s2+$0x0] =	vst.idx.msk vm9, v2  }
0xd2: {  	[tilespmem:v1+s2+$0x0] =	vst.idx.msk vm10, v2  }
0xd3: {  	[tilespmem:v1+s2+$0x0] =	vst.idx.msk vm11, v2  }
0xd4: {  	[tilespmem:v1+s2+$0x0] =	vst.idx.msk vm12, v2  }
0xd5: {  	[tilespmem:v1+s2+$0x0] =	vst.idx.msk vm13, v2  }
0xd6: {  	[tilespmem:v1+s2+$0x0] =	vst.idx.msk vm14, v2  }
0xd7: {  	v1 =	vld [tilespmem:s13+$0x10];
	_ =	sdelay $0x4  }
0xd8: {  	v2 =	vshll.u32 v1, $0x3  }
0xd9: {  	v3 =	vshrl.u32 v1, $0x1;
	v1 =	vand.u32 $0x1F87F, v1;
	v2 =	vand.u32 $0x400, v2  }
0xda: {  	v3 =	vand.u32 $0x380, v3;
	v1 =	vor.u32 v2, v1  }
0xdb: {  	v2 =	vld [tilespmem:s14+$0x10];
	v1 =	vor.u32 v3, v1;
	_ =	sdelay $0x4  }
0xdc: {  	[tilespmem:v1+s2+$0x0] =	vst.idx.msk $0x1, v2  }
0xdd: {  	[tilespmem:v1+s2+$0x0] =	vst.idx.msk vm0, v2  }
0xde: {  	[tilespmem:v1+s2+$0x0] =	vst.idx.msk vm1, v2  }
0xdf: {  	[tilespmem:v1+s2+$0x0] =	vst.idx.msk vm2, v2  }
0xe0: {  	[tilespmem:v1+s2+$0x0] =	vst.idx.msk vm3, v2  }
0xe1: {  	[tilespmem:v1+s2+$0x0] =	vst.idx.msk vm4, v2  }
0xe2: {  	[tilespmem:v1+s2+$0x0] =	vst.idx.msk vm5, v2  }
0xe3: {  	[tilespmem:v1+s2+$0x0] =	vst.idx.msk vm6, v2  }
0xe4: {  	[tilespmem:v1+s2+$0x0] =	vst.idx.msk vm7, v2  }
0xe5: {  	[tilespmem:v1+s2+$0x0] =	vst.idx.msk vm8, v2  }
0xe6: {  	[tilespmem:v1+s2+$0x0] =	vst.idx.msk vm9, v2  }
0xe7: {  	[tilespmem:v1+s2+$0x0] =	vst.idx.msk vm10, v2  }
0xe8: {  	[tilespmem:v1+s2+$0x0] =	vst.idx.msk vm11, v2  }
0xe9: {  	[tilespmem:v1+s2+$0x0] =	vst.idx.msk vm12, v2  }
0xea: {  	[tilespmem:v1+s2+$0x0] =	vst.idx.msk vm13, v2  }
0xeb: {  	s16 =	sand.u32 $0x7F8, s12;
	[tilespmem:v1+s2+$0x0] =	vst.idx.msk vm14, v2  }
0xec: {  	v1 =	vld [tilespmem:s16+$0x10700];
	_ =	sdelay $0x4  }
0xed: {  	v2 =	vshll.u32 v1, $0x3  }
0xee: {  	v3 =	vshrl.u32 v1, $0x1;
	v1 =	vand.u32 $0x1F87F, v1;
	v2 =	vand.u32 $0x400, v2  }
0xef: {  	v3 =	vand.u32 $0x380, v3;
	v1 =	vor.u32 v2, v1  }
0xf0: {  	v2 =	vld [tilespmem:s16+$0x10080];
	v1 =	vor.u32 v3, v1;
	_ =	sdelay $0x4  }
0xf1: {  	[tilespmem:v1+s2+$0x0] =	vst.idx.msk $0x1, v2  }
0xf2: {  	[tilespmem:v1+s2+$0x0] =	vst.idx.msk vm0, v2  }
0xf3: {  	[tilespmem:v1+s2+$0x0] =	vst.idx.msk vm1, v2  }
0xf4: {  	[tilespmem:v1+s2+$0x0] =	vst.idx.msk vm2, v2  }
0xf5: {  	[tilespmem:v1+s2+$0x0] =	vst.idx.msk vm3, v2  }
0xf6: {  	[tilespmem:v1+s2+$0x0] =	vst.idx.msk vm4, v2  }
0xf7: {  	[tilespmem:v1+s2+$0x0] =	vst.idx.msk vm5, v2  }
0xf8: {  	[tilespmem:v1+s2+$0x0] =	vst.idx.msk vm6, v2  }
0xf9: {  	[tilespmem:v1+s2+$0x0] =	vst.idx.msk vm7, v2  }
0xfa: {  	[tilespmem:v1+s2+$0x0] =	vst.idx.msk vm8, v2  }
0xfb: {  	[tilespmem:v1+s2+$0x0] =	vst.idx.msk vm9, v2  }
0xfc: {  	[tilespmem:v1+s2+$0x0] =	vst.idx.msk vm10, v2  }
0xfd: {  	[tilespmem:v1+s2+$0x0] =	vst.idx.msk vm11, v2  }
0xfe: {  	[tilespmem:v1+s2+$0x0] =	vst.idx.msk vm12, v2  }
0xff: {  	[tilespmem:v1+s2+$0x0] =	vst.idx.msk vm13, v2  }
0x100: {  	[tilespmem:v1+s2+$0x0] =	vst.idx.msk vm14, v2  }
0x101: {  	v1 =	vld [tilespmem:s13+$0x30];
	_ =	sdelay $0x4  }
0x102: {  	v2 =	vshll.u32 v1, $0x3  }
0x103: {  	v3 =	vshrl.u32 v1, $0x1;
	v1 =	vand.u32 $0x1F87F, v1;
	v2 =	vand.u32 $0x400, v2  }
0x104: {  	v3 =	vand.u32 $0x380, v3;
	v1 =	vor.u32 v2, v1  }
0x105: {  	v2 =	vld [tilespmem:s14+$0x30];
	v1 =	vor.u32 v3, v1;
	_ =	sdelay $0x4  }
0x106: {  	[tilespmem:v1+s2+$0x0] =	vst.idx.msk $0x1, v2  }
0x107: {  	[tilespmem:v1+s2+$0x0] =	vst.idx.msk vm0, v2  }
0x108: {  	[tilespmem:v1+s2+$0x0] =	vst.idx.msk vm1, v2  }
0x109: {  	[tilespmem:v1+s2+$0x0] =	vst.idx.msk vm2, v2  }
0x10a: {  	[tilespmem:v1+s2+$0x0] =	vst.idx.msk vm3, v2  }
0x10b: {  	[tilespmem:v1+s2+$0x0] =	vst.idx.msk vm4, v2  }
0x10c: {  	[tilespmem:v1+s2+$0x0] =	vst.idx.msk vm5, v2  }
0x10d: {  	[tilespmem:v1+s2+$0x0] =	vst.idx.msk vm6, v2  }
0x10e: {  	[tilespmem:v1+s2+$0x0] =	vst.idx.msk vm7, v2  }
0x10f: {  	[tilespmem:v1+s2+$0x0] =	vst.idx.msk vm8, v2  }
0x110: {  	[tilespmem:v1+s2+$0x0] =	vst.idx.msk vm9, v2  }
0x111: {  	[tilespmem:v1+s2+$0x0] =	vst.idx.msk vm10, v2  }
0x112: {  	[tilespmem:v1+s2+$0x0] =	vst.idx.msk vm11, v2  }
0x113: {  	[tilespmem:v1+s2+$0x0] =	vst.idx.msk vm12, v2  }
0x114: {  	[tilespmem:v1+s2+$0x0] =	vst.idx.msk vm13, v2  }
0x115: {  	[tilespmem:v1+s2+$0x0] =	vst.idx.msk vm14, v2  }
0x116: {  	v1 =	vld [tilespmem:s13+$0x40];
	_ =	sdelay $0x4  }
0x117: {  	v2 =	vshll.u32 v1, $0x3  }
0x118: {  	v3 =	vshrl.u32 v1, $0x1;
	v1 =	vand.u32 $0x1F87F, v1;
	v2 =	vand.u32 $0x400, v2  }
0x119: {  	v3 =	vand.u32 $0x380, v3;
	v1 =	vor.u32 v2, v1  }
0x11a: {  	v2 =	vld [tilespmem:s14+$0x40];
	v1 =	vor.u32 v3, v1;
	_ =	sdelay $0x4  }
0x11b: {  	[tilespmem:v1+s2+$0x0] =	vst.idx.msk $0x1, v2  }
0x11c: {  	[tilespmem:v1+s2+$0x0] =	vst.idx.msk vm0, v2  }
0x11d: {  	[tilespmem:v1+s2+$0x0] =	vst.idx.msk vm1, v2  }
0x11e: {  	[tilespmem:v1+s2+$0x0] =	vst.idx.msk vm2, v2  }
0x11f: {  	[tilespmem:v1+s2+$0x0] =	vst.idx.msk vm3, v2  }
0x120: {  	[tilespmem:v1+s2+$0x0] =	vst.idx.msk vm4, v2  }
0x121: {  	[tilespmem:v1+s2+$0x0] =	vst.idx.msk vm5, v2  }
0x122: {  	[tilespmem:v1+s2+$0x0] =	vst.idx.msk vm6, v2  }
0x123: {  	[tilespmem:v1+s2+$0x0] =	vst.idx.msk vm7, v2  }
0x124: {  	[tilespmem:v1+s2+$0x0] =	vst.idx.msk vm8, v2  }
0x125: {  	[tilespmem:v1+s2+$0x0] =	vst.idx.msk vm9, v2  }
0x126: {  	[tilespmem:v1+s2+$0x0] =	vst.idx.msk vm10, v2  }
0x127: {  	[tilespmem:v1+s2+$0x0] =	vst.idx.msk vm11, v2  }
0x128: {  	[tilespmem:v1+s2+$0x0] =	vst.idx.msk vm12, v2  }
0x129: {  	[tilespmem:v1+s2+$0x0] =	vst.idx.msk vm13, v2  }
0x12a: {  	[tilespmem:v1+s2+$0x0] =	vst.idx.msk vm14, v2  }
0x12b: {  	v1 =	vld [tilespmem:s13+$0x50];
	_ =	sdelay $0x4  }
0x12c: {  	v2 =	vshll.u32 v1, $0x3  }
0x12d: {  	v3 =	vshrl.u32 v1, $0x1;
	v1 =	vand.u32 $0x1F87F, v1;
	v2 =	vand.u32 $0x400, v2  }
0x12e: {  	v3 =	vand.u32 $0x380, v3;
	v1 =	vor.u32 v2, v1  }
0x12f: {  	v2 =	vld [tilespmem:s14+$0x50];
	v1 =	vor.u32 v3, v1;
	_ =	sdelay $0x4  }
0x130: {  	[tilespmem:v1+s2+$0x0] =	vst.idx.msk $0x1, v2  }
0x131: {  	[tilespmem:v1+s2+$0x0] =	vst.idx.msk vm0, v2  }
0x132: {  	[tilespmem:v1+s2+$0x0] =	vst.idx.msk vm1, v2  }
0x133: {  	[tilespmem:v1+s2+$0x0] =	vst.idx.msk vm2, v2  }
0x134: {  	[tilespmem:v1+s2+$0x0] =	vst.idx.msk vm3, v2  }
0x135: {  	[tilespmem:v1+s2+$0x0] =	vst.idx.msk vm4, v2  }
0x136: {  	[tilespmem:v1+s2+$0x0] =	vst.idx.msk vm5, v2  }
0x137: {  	[tilespmem:v1+s2+$0x0] =	vst.idx.msk vm6, v2  }
0x138: {  	[tilespmem:v1+s2+$0x0] =	vst.idx.msk vm7, v2  }
0x139: {  	[tilespmem:v1+s2+$0x0] =	vst.idx.msk vm8, v2  }
0x13a: {  	[tilespmem:v1+s2+$0x0] =	vst.idx.msk vm9, v2  }
0x13b: {  	[tilespmem:v1+s2+$0x0] =	vst.idx.msk vm10, v2  }
0x13c: {  	[tilespmem:v1+s2+$0x0] =	vst.idx.msk vm11, v2  }
0x13d: {  	[tilespmem:v1+s2+$0x0] =	vst.idx.msk vm12, v2  }
0x13e: {  	[tilespmem:v1+s2+$0x0] =	vst.idx.msk vm13, v2  }
0x13f: {  	[tilespmem:v1+s2+$0x0] =	vst.idx.msk vm14, v2  }
0x140: {  	v1 =	vld [tilespmem:s13+$0x58];
	_ =	sdelay $0x4  }
0x141: {  	v2 =	vshll.u32 v1, $0x3  }
0x142: {  	v3 =	vshrl.u32 v1, $0x1;
	v1 =	vand.u32 $0x1F87F, v1;
	v2 =	vand.u32 $0x400, v2  }
0x143: {  	v3 =	vand.u32 $0x380, v3;
	v1 =	vor.u32 v2, v1  }
0x144: {  	v2 =	vld [tilespmem:s14+$0x58];
	v1 =	vor.u32 v3, v1;
	_ =	sdelay $0x4  }
0x145: {  	[tilespmem:v1+s2+$0x0] =	vst.idx.msk vm7, v2  }
0x146: {  	[tilespmem:v1+s2+$0x0] =	vst.idx.msk vm8, v2  }
0x147: {  	[tilespmem:v1+s2+$0x0] =	vst.idx.msk vm9, v2  }
0x148: {  	[tilespmem:v1+s2+$0x0] =	vst.idx.msk vm10, v2  }
0x149: {  	[tilespmem:v1+s2+$0x0] =	vst.idx.msk vm11, v2  }
0x14a: {  	[tilespmem:v1+s2+$0x0] =	vst.idx.msk vm12, v2  }
0x14b: {  	[tilespmem:v1+s2+$0x0] =	vst.idx.msk vm13, v2  }
0x14c: {  	s17 =	sadd.s32 $0xFFFFE000, s15;
	[tilespmem:v1+s2+$0x0] =	vst.idx.msk vm14, v2  }
0x14d: {  	[hbm4b:s17+s2] =	stream.linear.scatter [tilespmem:s2], [sflag:$0x1], $0x10000, $0x38;
	[tilespmem:$0x10D00] =	vst v63  }
0x14e: {  	_ = 	snop  }
0x14f: {  	[hbm4b:s15+s2] =	stream.linear.scatter [tilespmem:s2], [sflag:$0x1], $0x10000, $0x38;
	[tilespmem:$0x10D00] =	vst v63  }
0x150: {  	_ =	swait.ge [sflag:s10], $0x10000  }
0x151: {  	[sflag:s10] =	ssyncset.done $0x0  }
0x152: {  	[sflag:s10] =	ssyncadd.s32 $0xFFFF0000  }
0x153: {  	_ =	swait.ge [sflag:s10], $0x10000  }
0x154: {  	[sflag:s10] =	ssyncset.done $0x0  }
0x155: {  	[sflag:s10] =	ssyncadd.s32 $0xFFFF0000  }
0x156: {  	v1 =	vld [tilespmem:s13+$0xFFFFFFA0];
	_ =	sdelay $0x4  }
0x157: {  	v2 =	vshll.u32 v1, $0x3  }
0x158: {  	v3 =	vshrl.u32 v1, $0x1;
	v1 =	vand.u32 $0x1F87F, v1;
	v2 =	vand.u32 $0x400, v2  }
0x159: {  	v3 =	vand.u32 $0x380, v3;
	v1 =	vor.u32 v2, v1  }
0x15a: {  	v1 =	vor.u32 v3, v1;
	_ =	sdelay $0x4  }
0x15b: {  	[tilespmem:v1+s2+$0x0] =	vst.idx.msk $0xffff, v0  }
0x15c: {  	v1 =	vld [tilespmem:s13+$0xFFFFFFB0];
	_ =	sdelay $0x4  }
0x15d: {  	v2 =	vshll.u32 v1, $0x3  }
0x15e: {  	v3 =	vshrl.u32 v1, $0x1;
	v1 =	vand.u32 $0x1F87F, v1;
	v2 =	vand.u32 $0x400, v2  }
0x15f: {  	v3 =	vand.u32 $0x380, v3;
	v1 =	vor.u32 v2, v1  }
0x160: {  	v1 =	vor.u32 v3, v1;
	_ =	sdelay $0x4  }
0x161: {  	[tilespmem:v1+s2+$0x0] =	vst.idx.msk $0xffff, v0  }
0x162: {  	v1 =	vld [tilespmem:s13+$0xFFFFFFC0];
	_ =	sdelay $0x4  }
0x163: {  	v2 =	vshll.u32 v1, $0x3  }
0x164: {  	v3 =	vshrl.u32 v1, $0x1;
	v1 =	vand.u32 $0x1F87F, v1;
	v2 =	vand.u32 $0x400, v2  }
0x165: {  	v3 =	vand.u32 $0x380, v3;
	v1 =	vor.u32 v2, v1  }
0x166: {  	v1 =	vor.u32 v3, v1;
	_ =	sdelay $0x4  }
0x167: {  	[tilespmem:v1+s2+$0x0] =	vst.idx.msk $0xffff, v0  }
0x168: {  	v1 =	vld [tilespmem:s13+$0xFFFFFFD0];
	_ =	sdelay $0x4  }
0x169: {  	v2 =	vshll.u32 v1, $0x3  }
0x16a: {  	v3 =	vshrl.u32 v1, $0x1;
	v1 =	vand.u32 $0x1F87F, v1;
	v2 =	vand.u32 $0x400, v2  }
0x16b: {  	v3 =	vand.u32 $0x380, v3;
	v1 =	vor.u32 v2, v1  }
0x16c: {  	v1 =	vor.u32 v3, v1;
	_ =	sdelay $0x4  }
0x16d: {  	[tilespmem:v1+s2+$0x0] =	vst.idx.msk $0xffff, v0  }
0x16e: {  	v1 =	vld [tilespmem:s13+$0xFFFFFFE0];
	_ =	sdelay $0x4  }
0x16f: {  	v2 =	vshll.u32 v1, $0x3  }
0x170: {  	v3 =	vshrl.u32 v1, $0x1;
	v1 =	vand.u32 $0x1F87F, v1;
	v2 =	vand.u32 $0x400, v2  }
0x171: {  	v3 =	vand.u32 $0x380, v3;
	v1 =	vor.u32 v2, v1  }
0x172: {  	v1 =	vor.u32 v3, v1;
	_ =	sdelay $0x4  }
0x173: {  	[tilespmem:v1+s2+$0x0] =	vst.idx.msk $0xffff, v0  }
0x174: {  	v1 =	vld [tilespmem:s13+$0xFFFFFFF0];
	_ =	sdelay $0x4  }
0x175: {  	v2 =	vshll.u32 v1, $0x3  }
0x176: {  	v3 =	vshrl.u32 v1, $0x1;
	v1 =	vand.u32 $0x1F87F, v1;
	v2 =	vand.u32 $0x400, v2  }
0x177: {  	v3 =	vand.u32 $0x380, v3;
	v1 =	vor.u32 v2, v1  }
0x178: {  	v1 =	vor.u32 v3, v1;
	_ =	sdelay $0x4  }
0x179: {  	[tilespmem:v1+s2+$0x0] =	vst.idx.msk $0xffff, v0  }
0x17a: {  	v1 =	vld [tilespmem:s13+$0x0];
	_ =	sdelay $0x4  }
0x17b: {  	v2 =	vshll.u32 v1, $0x3  }
0x17c: {  	v3 =	vshrl.u32 v1, $0x1;
	v1 =	vand.u32 $0x1F87F, v1;
	v2 =	vand.u32 $0x400, v2  }
0x17d: {  	v3 =	vand.u32 $0x380, v3;
	v1 =	vor.u32 v2, v1  }
0x17e: {  	v1 =	vor.u32 v3, v1;
	_ =	sdelay $0x4  }
0x17f: {  	[tilespmem:v1+s2+$0x0] =	vst.idx.msk $0xffff, v0  }
0x180: {  	v1 =	vld [tilespmem:s13+$0x10];
	_ =	sdelay $0x4  }
0x181: {  	v2 =	vshll.u32 v1, $0x3  }
0x182: {  	v3 =	vshrl.u32 v1, $0x1;
	v1 =	vand.u32 $0x1F87F, v1;
	v2 =	vand.u32 $0x400, v2  }
0x183: {  	v3 =	vand.u32 $0x380, v3;
	v1 =	vor.u32 v2, v1  }
0x184: {  	v1 =	vor.u32 v3, v1;
	_ =	sdelay $0x4  }
0x185: {  	[tilespmem:v1+s2+$0x0] =	vst.idx.msk $0xffff, v0  }
0x186: {  	v1 =	vld [tilespmem:s16+$0x10700];
	_ =	sdelay $0x4  }
0x187: {  	v2 =	vshll.u32 v1, $0x3  }
0x188: {  	v3 =	vshrl.u32 v1, $0x1;
	v1 =	vand.u32 $0x1F87F, v1;
	v2 =	vand.u32 $0x400, v2  }
0x189: {  	v3 =	vand.u32 $0x380, v3;
	v1 =	vor.u32 v2, v1  }
0x18a: {  	v1 =	vor.u32 v3, v1;
	_ =	sdelay $0x4  }
0x18b: {  	[tilespmem:v1+s2+$0x0] =	vst.idx.msk $0xffff, v0  }
0x18c: {  	v1 =	vld [tilespmem:s13+$0x30];
	_ =	sdelay $0x4  }
0x18d: {  	v2 =	vshll.u32 v1, $0x3  }
0x18e: {  	v3 =	vshrl.u32 v1, $0x1;
	v1 =	vand.u32 $0x1F87F, v1;
	v2 =	vand.u32 $0x400, v2  }
0x18f: {  	v3 =	vand.u32 $0x380, v3;
	v1 =	vor.u32 v2, v1  }
0x190: {  	v1 =	vor.u32 v3, v1;
	_ =	sdelay $0x4  }
0x191: {  	[tilespmem:v1+s2+$0x0] =	vst.idx.msk $0xffff, v0  }
0x192: {  	v1 =	vld [tilespmem:s13+$0x40];
	_ =	sdelay $0x4  }
0x193: {  	v2 =	vshll.u32 v1, $0x3  }
0x194: {  	v3 =	vshrl.u32 v1, $0x1;
	v1 =	vand.u32 $0x1F87F, v1;
	v2 =	vand.u32 $0x400, v2  }
0x195: {  	v3 =	vand.u32 $0x380, v3;
	v1 =	vor.u32 v2, v1  }
0x196: {  	v1 =	vor.u32 v3, v1;
	_ =	sdelay $0x4  }
0x197: {  	[tilespmem:v1+s2+$0x0] =	vst.idx.msk $0xffff, v0  }
0x198: {  	v1 =	vld [tilespmem:s13+$0x50];
	_ =	sdelay $0x4  }
0x199: {  	v2 =	vshll.u32 v1, $0x3  }
0x19a: {  	v3 =	vshrl.u32 v1, $0x1;
	v1 =	vand.u32 $0x1F87F, v1;
	v2 =	vand.u32 $0x400, v2  }
0x19b: {  	v3 =	vand.u32 $0x380, v3;
	v1 =	vor.u32 v2, v1  }
0x19c: {  	v1 =	vor.u32 v3, v1;
	_ =	sdelay $0x4  }
0x19d: {  	[tilespmem:v1+s2+$0x0] =	vst.idx.msk $0xffff, v0  }
0x19e: {  	v1 =	vld [tilespmem:s13+$0x58];
	_ =	sdelay $0x4  }
0x19f: {  	v2 =	vshll.u32 v1, $0x3  }
0x1a0: {  	v3 =	vshrl.u32 v1, $0x1;
	v1 =	vand.u32 $0x1F87F, v1;
	v2 =	vand.u32 $0x400, v2  }
0x1a1: {  	v3 =	vand.u32 $0x380, v3;
	v1 =	vor.u32 v2, v1  }
0x1a2: {  	p0 =	sne.s32 s12, $0x578;
	v1 =	vor.u32 v3, v1  }
.Ltmp1:
0x1a3: {  	_ = 	snop;
	(pc) =	sbr.rel @p0 .LBB2_4-.Ltmp1, $3  }
0x1a4: {  	_ =	sdelay $0x1  }
0x1a5: {  	s12 =	sadd.s32 $0xC8, s12  }
0x1a6: {  	s14 =	sadd.s32 $0xC8, s14;
	s15 =	sadd.s32 $0x4000, s15;
	s13 =	sadd.s32 $0xC8, s13;
	[tilespmem:v1+s2+$0x0] =	vst.idx.msk $0xffff, v0  }
0x1a7: {  	s11 =	sadd.s32 $0x1, s11  }
0x1a8: {  	p0 =	sne.s32 s11, s5  }
.Ltmp2:
0x1a9: {  	_ = 	snop;
	(pc) =	sbr.rel @p0 .LBB2_1-.Ltmp2, $1  }
0x1aa: {  	_ =	sdelay $0x3  }
0x1ab: {  	_ =	sfence.sel $0x180000  }
0x1ac: {  	[bflag:$0x0] =	sbarrier.arrive $0xFFFF  }
0x1ad: {  	p0 =	sne.s32 s1, $0x0;
	_ =	strace $0x90000047  }
0x1ae: {  	s0 =	sadd.s32 @!p0 $0x100000, s0;
	[bflag:$0x2] =	sbarrier.arrive $0xFFFF  }
0x1af: {  	[sflag:s0] =	ssyncadd.tile.s32 @!p0 $0x1;
	_ =	shalt  }
.Lfunc_end2:
_tile_overlayer_lowered:
.L_overlay_start_2:
0x1b0: {  	(tag) =	ssettag $0x2  }
0x1b1: {  	s0 =	rddreg [dreg:$0x0];
	s2 =	stileid.u32  }
0x1b2: {  	s1 =	rddreg [dreg:$0x1];
	p0 =	sne.s32 s2, $0x0  }
0x1b3: {  	s3 =	rddreg [dreg:$0x2];
	[bflag:$0x3] =	sbarrier.arrive $0xFFFF;
	s2 =	simm.s32 @!p0 $0x1C02  }
0x1b4: {  	[timem:s3], [sflag:s2] =	dma.local @!p0 [hbm:s0], s1  }
0x1b5: {  	s0 =	simm.s32 @!p0 $0x2  }
0x1b6: {  	_ =	swait.ge @!p0 [sflag:s0], s1  }
0x1b7: {  	s1 =	ssub.s32 @!p0 $0x0, s1;
	[sflag:s0] =	ssyncset.done @!p0 $0x0  }
0x1b8: {  	[sflag:s0] =	ssyncadd.s32 @!p0 s1  }
0x1b9: {  	[bflag:$0x3] =	sbarrier.arrive $0xFFFF  }
0x1ba: {  	_ =	shalt  }

</sc_bundles>
